<compile_context>
chip_gen: v7x
topology: tpu7x:2x2x1
jax: 0.10.2.dev20260603
libtpu: 0.0.44.dev20260713+nightly
codegen_flags: <defaults>
</compile_context>

<pallas_src>
import functools
import jax
import jax.numpy as jnp
from jax import lax
from jax.experimental import pallas as pl
from jax.experimental.pallas import tpu as pltpu
from jax.experimental.pallas import tpu_sc as plsc

B, L = 4096, 200
N = B * L
D = 16
F = 4
NW = 32
PER_W = N // NW
CHUNK = 512
GRP = 128
N_CHUNKS = PER_W // CHUNK
N_GRP = CHUNK // GRP


def _emb_kernel(i0_hbm, i1_hbm, i2_hbm, i3_hbm,
                t0_hbm, t1_hbm, t2_hbm, t3_hbm,
                out_hbm,
                idx_v, rows_v, sem):
    wid = lax.axis_index("s") * 2 + lax.axis_index("c")
    idx_refs = (i0_hbm, i1_hbm, i2_hbm, i3_hbm)
    tbl_refs = (t0_hbm, t1_hbm, t2_hbm, t3_hbm)

    def chunk_body(k, carry):
        base = wid * PER_W + k * CHUNK
        for f in range(F):
            pltpu.sync_copy(idx_refs[f].at[pl.ds(base, CHUNK)],
                            idx_v.at[f])
        copies = []
        for f in range(F):
            for g in range(N_GRP):
                copies.append(pltpu.async_copy(
                    tbl_refs[f].at[idx_v.at[f, pl.ds(g * GRP, GRP)]],
                    rows_v.at[f, pl.ds(g * GRP, GRP)],
                    sem))
        for c in copies:
            c.wait()
        for f in range(F):
            pltpu.sync_copy(rows_v.at[f], out_hbm.at[pl.ds(base, CHUNK), f])
        return carry

    lax.fori_loop(0, N_CHUNKS, chunk_body, 0)


@jax.jit
def _run(i0, i1, i2, i3, t0, t1, t2, t3):
    mesh = plsc.VectorSubcoreMesh(core_axis_name="c", subcore_axis_name="s")
    k = functools.partial(
        pl.kernel,
        out_type=jax.ShapeDtypeStruct((N, F, D), jnp.float32),
        mesh=mesh,
        scratch_types=[
            pltpu.VMEM((F, CHUNK), jnp.int32),
            pltpu.VMEM((F, CHUNK, D), jnp.float32),
            pltpu.SemaphoreType.DMA,
        ],
        compiler_params=pltpu.CompilerParams(use_tc_tiling_on_sc=False),
    )(_emb_kernel)
    return k(i0, i1, i2, i3, t0, t1, t2, t3)


def kernel(interaction, testId, assessmentItemID, knowledgeTag,
           emb_interaction, emb_testId, emb_assessmentItemID,
           emb_knowledgeTag):
    i0 = interaction.astype(jnp.int32).reshape(N)
    i1 = testId.astype(jnp.int32).reshape(N)
    i2 = assessmentItemID.astype(jnp.int32).reshape(N)
    i3 = knowledgeTag.astype(jnp.int32).reshape(N)
    out = _run(i0, i1, i2, i3,
               emb_interaction, emb_testId, emb_assessmentItemID,
               emb_knowledgeTag)
    return out.reshape(B, L, F * D)

# --- scband reference (transcript-rebuilt; emitter-appended) ---
"""Pipeline reference for scband-embedding-layer-27324581937160 (READ-ONLY COPY).

The authoritative reference and input builder live on the scoring server;
editing this copy changes nothing except your own understanding.
"""

import jax, jax.numpy as jnp
import numpy as np

B, L = 4096, 200
VOCAB = 100000
LABELS_DIM = 16        # hidden_dim // (len(n_embeddings)+1) = 64 // 4
INTERACTION_DIM = 16   # hidden_dim - labels_dim * 3


def setup_inputs(seed: int = 0) -> dict:
    key = jax.random.key(seed)
    ks = jax.random.split(key, 8)
    interaction = jax.random.randint(ks[0], (B, L), 0, 3, dtype=jnp.int64) if jax.config.jax_enable_x64 else jax.random.randint(ks[0], (B, L), 0, 3, dtype=jnp.int32)
    testId = jax.random.randint(ks[1], (B, L), 0, VOCAB + 1, dtype=jnp.int32)
    assessmentItemID = jax.random.randint(ks[2], (B, L), 0, VOCAB + 1, dtype=jnp.int32)
    knowledgeTag = jax.random.randint(ks[3], (B, L), 0, VOCAB + 1, dtype=jnp.int32)
    # learned parameters (embedding tables), sized per init_kwargs
    emb_interaction = jax.random.normal(ks[4], (3, INTERACTION_DIM), dtype=jnp.float32)
    emb_testId = jax.random.normal(ks[5], (VOCAB + 1, LABELS_DIM), dtype=jnp.float32)
    emb_assessmentItemID = jax.random.normal(ks[6], (VOCAB + 1, LABELS_DIM), dtype=jnp.float32)
    emb_knowledgeTag = jax.random.normal(ks[7], (VOCAB + 1, LABELS_DIM), dtype=jnp.float32)
    return {
        "interaction": interaction,
        "testId": testId,
        "assessmentItemID": assessmentItemID,
        "knowledgeTag": knowledgeTag,
        "emb_interaction": emb_interaction,
        "emb_testId": emb_testId,
        "emb_assessmentItemID": emb_assessmentItemID,
        "emb_knowledgeTag": emb_knowledgeTag,
    }


def reference(interaction, testId, assessmentItemID, knowledgeTag,
              emb_interaction, emb_testId, emb_assessmentItemID, emb_knowledgeTag):
    # EmbeddingLayer.forward: lookup each field's table, concat along feature axis
    e_inter = jnp.take(emb_interaction, interaction, axis=0)          # [B, L, 16]
    e_test = jnp.take(emb_testId, testId, axis=0)                     # [B, L, 16]
    e_item = jnp.take(emb_assessmentItemID, assessmentItemID, axis=0) # [B, L, 16]
    e_tag = jnp.take(emb_knowledgeTag, knowledgeTag, axis=0)          # [B, L, 16]
    embed = jnp.concatenate([e_inter, e_test, e_item, e_tag], axis=2) # [B, L, 64]
    return embed

if __name__ == "__main__":
    import jax
    _d = setup_inputs()
    print(jax.jit(kernel)(*tuple(_d.values())))

</pallas_src>

<mosaic_0001>
#map = affine_map<(d0, d1) -> (0)>
#map1 = affine_map<(d0, d1) -> (0, 0)>
#map2 = affine_map<(d0, d1) -> (0, 0, 0)>
module attributes {stable_mosaic.version = 14 : i64} {
  func.func @_emb_kernel(%arg0: i32, %arg1: i32, %arg2: memref<819200xi32, #tpu.memory_space<hbm>>, %arg3: memref<819200xi32, #tpu.memory_space<hbm>>, %arg4: memref<819200xi32, #tpu.memory_space<hbm>>, %arg5: memref<819200xi32, #tpu.memory_space<hbm>>, %arg6: memref<3x16xf32, #tpu.memory_space<hbm>>, %arg7: memref<100001x16xf32, #tpu.memory_space<hbm>>, %arg8: memref<100001x16xf32, #tpu.memory_space<hbm>>, %arg9: memref<100001x16xf32, #tpu.memory_space<hbm>>, %arg10: memref<819200x4x16xf32, #tpu.memory_space<hbm>>, %arg11: memref<4x512xi32, #tpu.memory_space<vmem>>, %arg12: memref<4x512x16xf32, #tpu.memory_space<vmem>>, %arg13: memref<!tpu.dma_semaphore, #tpu.memory_space<semaphore_mem>>) attributes {dimension_semantics = [#tpu.dimension_semantics<core_parallel>, #tpu.dimension_semantics<subcore_parallel>], iteration_bounds = array<i64: 2, 16>, scalar_prefetch = 0 : i64, scratch_operands = 3 : i64, tpu.core_type = #tpu.core_type<sc_vector_subcore>, window_params = [{transform_indices = #map}, {transform_indices = #map}, {transform_indices = #map}, {transform_indices = #map}, {transform_indices = #map1}, {transform_indices = #map1}, {transform_indices = #map1}, {transform_indices = #map1}, {transform_indices = #map2}]} {
    %mul3A = arith.constant 2 : i32
    %mul3A_0 = arith.muli %arg1, %mul3A : i32
    %add3A = arith.addi %mul3A_0, %arg0 : i32
    %scan3A = arith.constant 0 : i32
    %scan3A_1 = arith.constant 0 : i32
    %scan3A_2 = arith.constant 50 : i32
    %scan3A_3 = arith.addi %scan3A_1, %scan3A_2 : i32
    %scan3A_4 = arith.constant 1 : i32
    scf.for %scan3A_6 = %scan3A_1 to %scan3A_3 step %scan3A_4  : i32 {
      %mul3A_7 = arith.constant 25600 : i32
      %mul3A_8 = arith.muli %add3A, %mul3A_7 : i32
      %mul3A_9 = arith.constant 512 : i32
      %mul3A_10 = arith.muli %scan3A_6, %mul3A_9 : i32
      %add3A_11 = arith.addi %mul3A_8, %mul3A_10 : i32
      %run_scoped3A = arith.constant 0 : i32
      "tpu.region"() ({
        %run_scoped3A_405 = tpu.sem_alloc : memref<!tpu.dma_semaphore, #tpu.memory_space<semaphore_mem>>
        %dma_start3A_406 = arith.constant 0 : i32
        %dma_start3A_407 = tpu.memref_slice %arg11[%run_scoped3A, %dma_start3A_406] : memref<4x512xi32, #tpu.memory_space<vmem>> -> memref<1x512xi32, #tpu.memory_space<vmem>>
        %dma_start3A_408 = tpu.memref_squeeze %dma_start3A_407 : memref<1x512xi32, #tpu.memory_space<vmem>> -> memref<512xi32, #tpu.memory_space<vmem>>
        %dma_start3A_409 = tpu.memref_slice %arg2[%add3A_11] : memref<819200xi32, #tpu.memory_space<hbm>> -> memref<512xi32, #tpu.memory_space<hbm>>
        %dma_start3A_410 = arith.constant 0 : i32
        %dma_start3A_411 = tpu.memref_slice %arg11[%run_scoped3A, %dma_start3A_410] : memref<4x512xi32, #tpu.memory_space<vmem>> -> memref<1x512xi32, #tpu.memory_space<vmem>>
        %dma_start3A_412 = tpu.memref_squeeze %dma_start3A_411 : memref<1x512xi32, #tpu.memory_space<vmem>> -> memref<512xi32, #tpu.memory_space<vmem>>
        %dma_start3A_413 = tpu.memref_slice %arg2[%add3A_11] : memref<819200xi32, #tpu.memory_space<hbm>> -> memref<512xi32, #tpu.memory_space<hbm>>
        tpu.enqueue_dma source(%dma_start3A_413 : memref<512xi32, #tpu.memory_space<hbm>>) target(%dma_start3A_412 : memref<512xi32, #tpu.memory_space<vmem>>) target_semaphore(%run_scoped3A_405 : memref<!tpu.dma_semaphore, #tpu.memory_space<semaphore_mem>>)
        %dma_wait3A_414 = arith.constant 0 : i32
        %dma_wait3A_415 = tpu.memref_slice %arg11[%run_scoped3A, %dma_wait3A_414] : memref<4x512xi32, #tpu.memory_space<vmem>> -> memref<1x512xi32, #tpu.memory_space<vmem>>
        %dma_wait3A_416 = tpu.memref_squeeze %dma_wait3A_415 : memref<1x512xi32, #tpu.memory_space<vmem>> -> memref<512xi32, #tpu.memory_space<vmem>>
        %dma_wait3A_417 = tpu.memref_slice %arg2[%add3A_11] : memref<819200xi32, #tpu.memory_space<hbm>> -> memref<512xi32, #tpu.memory_space<hbm>>
        %dma_wait3A_418 = arith.constant 0 : i32
        %dma_wait3A_419 = tpu.memref_slice %arg11[%run_scoped3A, %dma_wait3A_418] : memref<4x512xi32, #tpu.memory_space<vmem>> -> memref<1x512xi32, #tpu.memory_space<vmem>>
        %dma_wait3A_420 = tpu.memref_squeeze %dma_wait3A_419 : memref<1x512xi32, #tpu.memory_space<vmem>> -> memref<512xi32, #tpu.memory_space<vmem>>
        %dma_wait3A_421 = tpu.memref_slice %arg2[%add3A_11] : memref<819200xi32, #tpu.memory_space<hbm>> -> memref<512xi32, #tpu.memory_space<hbm>>
        tpu.wait_dma2 semaphore(%run_scoped3A_405 : memref<!tpu.dma_semaphore, #tpu.memory_space<semaphore_mem>>) src(%dma_wait3A_421 : memref<512xi32, #tpu.memory_space<hbm>>) dst(%dma_wait3A_420 : memref<512xi32, #tpu.memory_space<vmem>>)
        tpu.yield
      }) : () -> ()
      %run_scoped3A_12 = arith.constant 1 : i32
      "tpu.region"() ({
        %run_scoped3A_405 = tpu.sem_alloc : memref<!tpu.dma_semaphore, #tpu.memory_space<semaphore_mem>>
        %dma_start3A_406 = arith.constant 0 : i32
        %dma_start3A_407 = tpu.memref_slice %arg11[%run_scoped3A_12, %dma_start3A_406] : memref<4x512xi32, #tpu.memory_space<vmem>> -> memref<1x512xi32, #tpu.memory_space<vmem>>
        %dma_start3A_408 = tpu.memref_squeeze %dma_start3A_407 : memref<1x512xi32, #tpu.memory_space<vmem>> -> memref<512xi32, #tpu.memory_space<vmem>>
        %dma_start3A_409 = tpu.memref_slice %arg3[%add3A_11] : memref<819200xi32, #tpu.memory_space<hbm>> -> memref<512xi32, #tpu.memory_space<hbm>>
        %dma_start3A_410 = arith.constant 0 : i32
        %dma_start3A_411 = tpu.memref_slice %arg11[%run_scoped3A_12, %dma_start3A_410] : memref<4x512xi32, #tpu.memory_space<vmem>> -> memref<1x512xi32, #tpu.memory_space<vmem>>
        %dma_start3A_412 = tpu.memref_squeeze %dma_start3A_411 : memref<1x512xi32, #tpu.memory_space<vmem>> -> memref<512xi32, #tpu.memory_space<vmem>>
        %dma_start3A_413 = tpu.memref_slice %arg3[%add3A_11] : memref<819200xi32, #tpu.memory_space<hbm>> -> memref<512xi32, #tpu.memory_space<hbm>>
        tpu.enqueue_dma source(%dma_start3A_413 : memref<512xi32, #tpu.memory_space<hbm>>) target(%dma_start3A_412 : memref<512xi32, #tpu.memory_space<vmem>>) target_semaphore(%run_scoped3A_405 : memref<!tpu.dma_semaphore, #tpu.memory_space<semaphore_mem>>)
        %dma_wait3A_414 = arith.constant 0 : i32
        %dma_wait3A_415 = tpu.memref_slice %arg11[%run_scoped3A_12, %dma_wait3A_414] : memref<4x512xi32, #tpu.memory_space<vmem>> -> memref<1x512xi32, #tpu.memory_space<vmem>>
        %dma_wait3A_416 = tpu.memref_squeeze %dma_wait3A_415 : memref<1x512xi32, #tpu.memory_space<vmem>> -> memref<512xi32, #tpu.memory_space<vmem>>
        %dma_wait3A_417 = tpu.memref_slice %arg3[%add3A_11] : memref<819200xi32, #tpu.memory_space<hbm>> -> memref<512xi32, #tpu.memory_space<hbm>>
        %dma_wait3A_418 = arith.constant 0 : i32
        %dma_wait3A_419 = tpu.memref_slice %arg11[%run_scoped3A_12, %dma_wait3A_418] : memref<4x512xi32, #tpu.memory_space<vmem>> -> memref<1x512xi32, #tpu.memory_space<vmem>>
        %dma_wait3A_420 = tpu.memref_squeeze %dma_wait3A_419 : memref<1x512xi32, #tpu.memory_space<vmem>> -> memref<512xi32, #tpu.memory_space<vmem>>
        %dma_wait3A_421 = tpu.memref_slice %arg3[%add3A_11] : memref<819200xi32, #tpu.memory_space<hbm>> -> memref<512xi32, #tpu.memory_space<hbm>>
        tpu.wait_dma2 semaphore(%run_scoped3A_405 : memref<!tpu.dma_semaphore, #tpu.memory_space<semaphore_mem>>) src(%dma_wait3A_421 : memref<512xi32, #tpu.memory_space<hbm>>) dst(%dma_wait3A_420 : memref<512xi32, #tpu.memory_space<vmem>>)
        tpu.yield
      }) : () -> ()
      %run_scoped3A_13 = arith.constant 2 : i32
      "tpu.region"() ({
        %run_scoped3A_405 = tpu.sem_alloc : memref<!tpu.dma_semaphore, #tpu.memory_space<semaphore_mem>>
        %dma_start3A_406 = arith.constant 0 : i32
        %dma_start3A_407 = tpu.memref_slice %arg11[%run_scoped3A_13, %dma_start3A_406] : memref<4x512xi32, #tpu.memory_space<vmem>> -> memref<1x512xi32, #tpu.memory_space<vmem>>
        %dma_start3A_408 = tpu.memref_squeeze %dma_start3A_407 : memref<1x512xi32, #tpu.memory_space<vmem>> -> memref<512xi32, #tpu.memory_space<vmem>>
        %dma_start3A_409 = tpu.memref_slice %arg4[%add3A_11] : memref<819200xi32, #tpu.memory_space<hbm>> -> memref<512xi32, #tpu.memory_space<hbm>>
        %dma_start3A_410 = arith.constant 0 : i32
        %dma_start3A_411 = tpu.memref_slice %arg11[%run_scoped3A_13, %dma_start3A_410] : memref<4x512xi32, #tpu.memory_space<vmem>> -> memref<1x512xi32, #tpu.memory_space<vmem>>
        %dma_start3A_412 = tpu.memref_squeeze %dma_start3A_411 : memref<1x512xi32, #tpu.memory_space<vmem>> -> memref<512xi32, #tpu.memory_space<vmem>>
        %dma_start3A_413 = tpu.memref_slice %arg4[%add3A_11] : memref<819200xi32, #tpu.memory_space<hbm>> -> memref<512xi32, #tpu.memory_space<hbm>>
        tpu.enqueue_dma source(%dma_start3A_413 : memref<512xi32, #tpu.memory_space<hbm>>) target(%dma_start3A_412 : memref<512xi32, #tpu.memory_space<vmem>>) target_semaphore(%run_scoped3A_405 : memref<!tpu.dma_semaphore, #tpu.memory_space<semaphore_mem>>)
        %dma_wait3A_414 = arith.constant 0 : i32
        %dma_wait3A_415 = tpu.memref_slice %arg11[%run_scoped3A_13, %dma_wait3A_414] : memref<4x512xi32, #tpu.memory_space<vmem>> -> memref<1x512xi32, #tpu.memory_space<vmem>>
        %dma_wait3A_416 = tpu.memref_squeeze %dma_wait3A_415 : memref<1x512xi32, #tpu.memory_space<vmem>> -> memref<512xi32, #tpu.memory_space<vmem>>
        %dma_wait3A_417 = tpu.memref_slice %arg4[%add3A_11] : memref<819200xi32, #tpu.memory_space<hbm>> -> memref<512xi32, #tpu.memory_space<hbm>>
        %dma_wait3A_418 = arith.constant 0 : i32
        %dma_wait3A_419 = tpu.memref_slice %arg11[%run_scoped3A_13, %dma_wait3A_418] : memref<4x512xi32, #tpu.memory_space<vmem>> -> memref<1x512xi32, #tpu.memory_space<vmem>>
        %dma_wait3A_420 = tpu.memref_squeeze %dma_wait3A_419 : memref<1x512xi32, #tpu.memory_space<vmem>> -> memref<512xi32, #tpu.memory_space<vmem>>
        %dma_wait3A_421 = tpu.memref_slice %arg4[%add3A_11] : memref<819200xi32, #tpu.memory_space<hbm>> -> memref<512xi32, #tpu.memory_space<hbm>>
        tpu.wait_dma2 semaphore(%run_scoped3A_405 : memref<!tpu.dma_semaphore, #tpu.memory_space<semaphore_mem>>) src(%dma_wait3A_421 : memref<512xi32, #tpu.memory_space<hbm>>) dst(%dma_wait3A_420 : memref<512xi32, #tpu.memory_space<vmem>>)
        tpu.yield
      }) : () -> ()
      %run_scoped3A_14 = arith.constant 3 : i32
      "tpu.region"() ({
        %run_scoped3A_405 = tpu.sem_alloc : memref<!tpu.dma_semaphore, #tpu.memory_space<semaphore_mem>>
        %dma_start3A_406 = arith.constant 0 : i32
        %dma_start3A_407 = tpu.memref_slice %arg11[%run_scoped3A_14, %dma_start3A_406] : memref<4x512xi32, #tpu.memory_space<vmem>> -> memref<1x512xi32, #tpu.memory_space<vmem>>
        %dma_start3A_408 = tpu.memref_squeeze %dma_start3A_407 : memref<1x512xi32, #tpu.memory_space<vmem>> -> memref<512xi32, #tpu.memory_space<vmem>>
        %dma_start3A_409 = tpu.memref_slice %arg5[%add3A_11] : memref<819200xi32, #tpu.memory_space<hbm>> -> memref<512xi32, #tpu.memory_space<hbm>>
        %dma_start3A_410 = arith.constant 0 : i32
        %dma_start3A_411 = tpu.memref_slice %arg11[%run_scoped3A_14, %dma_start3A_410] : memref<4x512xi32, #tpu.memory_space<vmem>> -> memref<1x512xi32, #tpu.memory_space<vmem>>
        %dma_start3A_412 = tpu.memref_squeeze %dma_start3A_411 : memref<1x512xi32, #tpu.memory_space<vmem>> -> memref<512xi32, #tpu.memory_space<vmem>>
        %dma_start3A_413 = tpu.memref_slice %arg5[%add3A_11] : memref<819200xi32, #tpu.memory_space<hbm>> -> memref<512xi32, #tpu.memory_space<hbm>>
        tpu.enqueue_dma source(%dma_start3A_413 : memref<512xi32, #tpu.memory_space<hbm>>) target(%dma_start3A_412 : memref<512xi32, #tpu.memory_space<vmem>>) target_semaphore(%run_scoped3A_405 : memref<!tpu.dma_semaphore, #tpu.memory_space<semaphore_mem>>)
        %dma_wait3A_414 = arith.constant 0 : i32
        %dma_wait3A_415 = tpu.memref_slice %arg11[%run_scoped3A_14, %dma_wait3A_414] : memref<4x512xi32, #tpu.memory_space<vmem>> -> memref<1x512xi32, #tpu.memory_space<vmem>>
        %dma_wait3A_416 = tpu.memref_squeeze %dma_wait3A_415 : memref<1x512xi32, #tpu.memory_space<vmem>> -> memref<512xi32, #tpu.memory_space<vmem>>
        %dma_wait3A_417 = tpu.memref_slice %arg5[%add3A_11] : memref<819200xi32, #tpu.memory_space<hbm>> -> memref<512xi32, #tpu.memory_space<hbm>>
        %dma_wait3A_418 = arith.constant 0 : i32
        %dma_wait3A_419 = tpu.memref_slice %arg11[%run_scoped3A_14, %dma_wait3A_418] : memref<4x512xi32, #tpu.memory_space<vmem>> -> memref<1x512xi32, #tpu.memory_space<vmem>>
        %dma_wait3A_420 = tpu.memref_squeeze %dma_wait3A_419 : memref<1x512xi32, #tpu.memory_space<vmem>> -> memref<512xi32, #tpu.memory_space<vmem>>
        %dma_wait3A_421 = tpu.memref_slice %arg5[%add3A_11] : memref<819200xi32, #tpu.memory_space<hbm>> -> memref<512xi32, #tpu.memory_space<hbm>>
        tpu.wait_dma2 semaphore(%run_scoped3A_405 : memref<!tpu.dma_semaphore, #tpu.memory_space<semaphore_mem>>) src(%dma_wait3A_421 : memref<512xi32, #tpu.memory_space<hbm>>) dst(%dma_wait3A_420 : memref<512xi32, #tpu.memory_space<vmem>>)
        tpu.yield
      }) : () -> ()
      %dma_start3A = arith.constant 0 : i32
      %dma_start3A_15 = arith.constant 0 : i32
      %dma_start3A_16 = arith.constant 0 : i32
      %dma_start3A_17 = arith.constant 0 : i32
      %dma_start3A_18 = tpu.memref_slice %arg12[%dma_start3A_15, %dma_start3A_16, %dma_start3A_17] : memref<4x512x16xf32, #tpu.memory_space<vmem>> -> memref<1x128x16xf32, #tpu.memory_space<vmem>>
      %dma_start3A_19 = tpu.memref_squeeze %dma_start3A_18 : memref<1x128x16xf32, #tpu.memory_space<vmem>> -> memref<128x16xf32, #tpu.memory_space<vmem>>
      %dma_start3A_20 = arith.constant 0 : i32
      %dma_start3A_21 = tpu.memref_slice %arg11[%dma_start3A, %dma_start3A_20] : memref<4x512xi32, #tpu.memory_space<vmem>> -> memref<1x128xi32, #tpu.memory_space<vmem>>
      %dma_start3A_22 = tpu.memref_squeeze %dma_start3A_21 : memref<1x128xi32, #tpu.memory_space<vmem>> -> memref<128xi32, #tpu.memory_space<vmem>>
      %dma_start3A_23 = arith.constant 0 : i32
      %dma_start3A_24 = arith.constant 0 : i32
      %dma_start3A_25 = tpu.memref_slice %arg6[%dma_start3A_23, %dma_start3A_24] : memref<3x16xf32, #tpu.memory_space<hbm>> -> memref<3x16xf32, #tpu.memory_space<hbm>>
      tpu.enqueue_indirect_dma source(%dma_start3A_25 : memref<3x16xf32, #tpu.memory_space<hbm>>) target(%dma_start3A_19 : memref<128x16xf32, #tpu.memory_space<vmem>>) offsets(%dma_start3A_22 : memref<128xi32, #tpu.memory_space<vmem>>) semaphore(%arg13 : memref<!tpu.dma_semaphore, #tpu.memory_space<semaphore_mem>>)
      %dma_start3A_26 = arith.constant 0 : i32
      %dma_start3A_27 = arith.constant 0 : i32
      %dma_start3A_28 = arith.constant 128 : i32
      %dma_start3A_29 = arith.constant 0 : i32
      %dma_start3A_30 = tpu.memref_slice %arg12[%dma_start3A_27, %dma_start3A_28, %dma_start3A_29] : memref<4x512x16xf32, #tpu.memory_space<vmem>> -> memref<1x128x16xf32, #tpu.memory_space<vmem>>
      %dma_start3A_31 = tpu.memref_squeeze %dma_start3A_30 : memref<1x128x16xf32, #tpu.memory_space<vmem>> -> memref<128x16xf32, #tpu.memory_space<vmem>>
      %dma_start3A_32 = arith.constant 128 : i32
      %dma_start3A_33 = tpu.memref_slice %arg11[%dma_start3A_26, %dma_start3A_32] : memref<4x512xi32, #tpu.memory_space<vmem>> -> memref<1x128xi32, #tpu.memory_space<vmem>>
      %dma_start3A_34 = tpu.memref_squeeze %dma_start3A_33 : memref<1x128xi32, #tpu.memory_space<vmem>> -> memref<128xi32, #tpu.memory_space<vmem>>
      %dma_start3A_35 = arith.constant 0 : i32
      %dma_start3A_36 = arith.constant 0 : i32
      %dma_start3A_37 = tpu.memref_slice %arg6[%dma_start3A_35, %dma_start3A_36] : memref<3x16xf32, #tpu.memory_space<hbm>> -> memref<3x16xf32, #tpu.memory_space<hbm>>
      tpu.enqueue_indirect_dma source(%dma_start3A_37 : memref<3x16xf32, #tpu.memory_space<hbm>>) target(%dma_start3A_31 : memref<128x16xf32, #tpu.memory_space<vmem>>) offsets(%dma_start3A_34 : memref<128xi32, #tpu.memory_space<vmem>>) semaphore(%arg13 : memref<!tpu.dma_semaphore, #tpu.memory_space<semaphore_mem>>)
      %dma_start3A_38 = arith.constant 0 : i32
      %dma_start3A_39 = arith.constant 0 : i32
      %dma_start3A_40 = arith.constant 256 : i32
      %dma_start3A_41 = arith.constant 0 : i32
      %dma_start3A_42 = tpu.memref_slice %arg12[%dma_start3A_39, %dma_start3A_40, %dma_start3A_41] : memref<4x512x16xf32, #tpu.memory_space<vmem>> -> memref<1x128x16xf32, #tpu.memory_space<vmem>>
      %dma_start3A_43 = tpu.memref_squeeze %dma_start3A_42 : memref<1x128x16xf32, #tpu.memory_space<vmem>> -> memref<128x16xf32, #tpu.memory_space<vmem>>
      %dma_start3A_44 = arith.constant 256 : i32
      %dma_start3A_45 = tpu.memref_slice %arg11[%dma_start3A_38, %dma_start3A_44] : memref<4x512xi32, #tpu.memory_space<vmem>> -> memref<1x128xi32, #tpu.memory_space<vmem>>
      %dma_start3A_46 = tpu.memref_squeeze %dma_start3A_45 : memref<1x128xi32, #tpu.memory_space<vmem>> -> memref<128xi32, #tpu.memory_space<vmem>>
      %dma_start3A_47 = arith.constant 0 : i32
      %dma_start3A_48 = arith.constant 0 : i32
      %dma_start3A_49 = tpu.memref_slice %arg6[%dma_start3A_47, %dma_start3A_48] : memref<3x16xf32, #tpu.memory_space<hbm>> -> memref<3x16xf32, #tpu.memory_space<hbm>>
      tpu.enqueue_indirect_dma source(%dma_start3A_49 : memref<3x16xf32, #tpu.memory_space<hbm>>) target(%dma_start3A_43 : memref<128x16xf32, #tpu.memory_space<vmem>>) offsets(%dma_start3A_46 : memref<128xi32, #tpu.memory_space<vmem>>) semaphore(%arg13 : memref<!tpu.dma_semaphore, #tpu.memory_space<semaphore_mem>>)
      %dma_start3A_50 = arith.constant 0 : i32
      %dma_start3A_51 = arith.constant 0 : i32
      %dma_start3A_52 = arith.constant 384 : i32
      %dma_start3A_53 = arith.constant 0 : i32
      %dma_start3A_54 = tpu.memref_slice %arg12[%dma_start3A_51, %dma_start3A_52, %dma_start3A_53] : memref<4x512x16xf32, #tpu.memory_space<vmem>> -> memref<1x128x16xf32, #tpu.memory_space<vmem>>
      %dma_start3A_55 = tpu.memref_squeeze %dma_start3A_54 : memref<1x128x16xf32, #tpu.memory_space<vmem>> -> memref<128x16xf32, #tpu.memory_space<vmem>>
      %dma_start3A_56 = arith.constant 384 : i32
      %dma_start3A_57 = tpu.memref_slice %arg11[%dma_start3A_50, %dma_start3A_56] : memref<4x512xi32, #tpu.memory_space<vmem>> -> memref<1x128xi32, #tpu.memory_space<vmem>>
      %dma_start3A_58 = tpu.memref_squeeze %dma_start3A_57 : memref<1x128xi32, #tpu.memory_space<vmem>> -> memref<128xi32, #tpu.memory_space<vmem>>
      %dma_start3A_59 = arith.constant 0 : i32
      %dma_start3A_60 = arith.constant 0 : i32
      %dma_start3A_61 = tpu.memref_slice %arg6[%dma_start3A_59, %dma_start3A_60] : memref<3x16xf32, #tpu.memory_space<hbm>> -> memref<3x16xf32, #tpu.memory_space<hbm>>
      tpu.enqueue_indirect_dma source(%dma_start3A_61 : memref<3x16xf32, #tpu.memory_space<hbm>>) target(%dma_start3A_55 : memref<128x16xf32, #tpu.memory_space<vmem>>) offsets(%dma_start3A_58 : memref<128xi32, #tpu.memory_space<vmem>>) semaphore(%arg13 : memref<!tpu.dma_semaphore, #tpu.memory_space<semaphore_mem>>)
      %dma_start3A_62 = arith.constant 1 : i32
      %dma_start3A_63 = arith.constant 1 : i32
      %dma_start3A_64 = arith.constant 0 : i32
      %dma_start3A_65 = arith.constant 0 : i32
      %dma_start3A_66 = tpu.memref_slice %arg12[%dma_start3A_63, %dma_start3A_64, %dma_start3A_65] : memref<4x512x16xf32, #tpu.memory_space<vmem>> -> memref<1x128x16xf32, #tpu.memory_space<vmem>>
      %dma_start3A_67 = tpu.memref_squeeze %dma_start3A_66 : memref<1x128x16xf32, #tpu.memory_space<vmem>> -> memref<128x16xf32, #tpu.memory_space<vmem>>
      %dma_start3A_68 = arith.constant 0 : i32
      %dma_start3A_69 = tpu.memref_slice %arg11[%dma_start3A_62, %dma_start3A_68] : memref<4x512xi32, #tpu.memory_space<vmem>> -> memref<1x128xi32, #tpu.memory_space<vmem>>
      %dma_start3A_70 = tpu.memref_squeeze %dma_start3A_69 : memref<1x128xi32, #tpu.memory_space<vmem>> -> memref<128xi32, #tpu.memory_space<vmem>>
      %dma_start3A_71 = arith.constant 0 : i32
      %dma_start3A_72 = arith.constant 0 : i32
      %dma_start3A_73 = tpu.memref_slice %arg7[%dma_start3A_71, %dma_start3A_72] : memref<100001x16xf32, #tpu.memory_space<hbm>> -> memref<100001x16xf32, #tpu.memory_space<hbm>>
      tpu.enqueue_indirect_dma source(%dma_start3A_73 : memref<100001x16xf32, #tpu.memory_space<hbm>>) target(%dma_start3A_67 : memref<128x16xf32, #tpu.memory_space<vmem>>) offsets(%dma_start3A_70 : memref<128xi32, #tpu.memory_space<vmem>>) semaphore(%arg13 : memref<!tpu.dma_semaphore, #tpu.memory_space<semaphore_mem>>)
      %dma_start3A_74 = arith.constant 1 : i32
      %dma_start3A_75 = arith.constant 1 : i32
      %dma_start3A_76 = arith.constant 128 : i32
      %dma_start3A_77 = arith.constant 0 : i32
      %dma_start3A_78 = tpu.memref_slice %arg12[%dma_start3A_75, %dma_start3A_76, %dma_start3A_77] : memref<4x512x16xf32, #tpu.memory_space<vmem>> -> memref<1x128x16xf32, #tpu.memory_space<vmem>>
      %dma_start3A_79 = tpu.memref_squeeze %dma_start3A_78 : memref<1x128x16xf32, #tpu.memory_space<vmem>> -> memref<128x16xf32, #tpu.memory_space<vmem>>
      %dma_start3A_80 = arith.constant 128 : i32
      %dma_start3A_81 = tpu.memref_slice %arg11[%dma_start3A_74, %dma_start3A_80] : memref<4x512xi32, #tpu.memory_space<vmem>> -> memref<1x128xi32, #tpu.memory_space<vmem>>
      %dma_start3A_82 = tpu.memref_squeeze %dma_start3A_81 : memref<1x128xi32, #tpu.memory_space<vmem>> -> memref<128xi32, #tpu.memory_space<vmem>>
      %dma_start3A_83 = arith.constant 0 : i32
      %dma_start3A_84 = arith.constant 0 : i32
      %dma_start3A_85 = tpu.memref_slice %arg7[%dma_start3A_83, %dma_start3A_84] : memref<100001x16xf32, #tpu.memory_space<hbm>> -> memref<100001x16xf32, #tpu.memory_space<hbm>>
      tpu.enqueue_indirect_dma source(%dma_start3A_85 : memref<100001x16xf32, #tpu.memory_space<hbm>>) target(%dma_start3A_79 : memref<128x16xf32, #tpu.memory_space<vmem>>) offsets(%dma_start3A_82 : memref<128xi32, #tpu.memory_space<vmem>>) semaphore(%arg13 : memref<!tpu.dma_semaphore, #tpu.memory_space<semaphore_mem>>)
      %dma_start3A_86 = arith.constant 1 : i32
      %dma_start3A_87 = arith.constant 1 : i32
      %dma_start3A_88 = arith.constant 256 : i32
      %dma_start3A_89 = arith.constant 0 : i32
      %dma_start3A_90 = tpu.memref_slice %arg12[%dma_start3A_87, %dma_start3A_88, %dma_start3A_89] : memref<4x512x16xf32, #tpu.memory_space<vmem>> -> memref<1x128x16xf32, #tpu.memory_space<vmem>>
      %dma_start3A_91 = tpu.memref_squeeze %dma_start3A_90 : memref<1x128x16xf32, #tpu.memory_space<vmem>> -> memref<128x16xf32, #tpu.memory_space<vmem>>
      %dma_start3A_92 = arith.constant 256 : i32
      %dma_start3A_93 = tpu.memref_slice %arg11[%dma_start3A_86, %dma_start3A_92] : memref<4x512xi32, #tpu.memory_space<vmem>> -> memref<1x128xi32, #tpu.memory_space<vmem>>
      %dma_start3A_94 = tpu.memref_squeeze %dma_start3A_93 : memref<1x128xi32, #tpu.memory_space<vmem>> -> memref<128xi32, #tpu.memory_space<vmem>>
      %dma_start3A_95 = arith.constant 0 : i32
      %dma_start3A_96 = arith.constant 0 : i32
      %dma_start3A_97 = tpu.memref_slice %arg7[%dma_start3A_95, %dma_start3A_96] : memref<100001x16xf32, #tpu.memory_space<hbm>> -> memref<100001x16xf32, #tpu.memory_space<hbm>>
      tpu.enqueue_indirect_dma source(%dma_start3A_97 : memref<100001x16xf32, #tpu.memory_space<hbm>>) target(%dma_start3A_91 : memref<128x16xf32, #tpu.memory_space<vmem>>) offsets(%dma_start3A_94 : memref<128xi32, #tpu.memory_space<vmem>>) semaphore(%arg13 : memref<!tpu.dma_semaphore, #tpu.memory_space<semaphore_mem>>)
      %dma_start3A_98 = arith.constant 1 : i32
      %dma_start3A_99 = arith.constant 1 : i32
      %dma_start3A_100 = arith.constant 384 : i32
      %dma_start3A_101 = arith.constant 0 : i32
      %dma_start3A_102 = tpu.memref_slice %arg12[%dma_start3A_99, %dma_start3A_100, %dma_start3A_101] : memref<4x512x16xf32, #tpu.memory_space<vmem>> -> memref<1x128x16xf32, #tpu.memory_space<vmem>>
      %dma_start3A_103 = tpu.memref_squeeze %dma_start3A_102 : memref<1x128x16xf32, #tpu.memory_space<vmem>> -> memref<128x16xf32, #tpu.memory_space<vmem>>
      %dma_start3A_104 = arith.constant 384 : i32
      %dma_start3A_105 = tpu.memref_slice %arg11[%dma_start3A_98, %dma_start3A_104] : memref<4x512xi32, #tpu.memory_space<vmem>> -> memref<1x128xi32, #tpu.memory_space<vmem>>
      %dma_start3A_106 = tpu.memref_squeeze %dma_start3A_105 : memref<1x128xi32, #tpu.memory_space<vmem>> -> memref<128xi32, #tpu.memory_space<vmem>>
      %dma_start3A_107 = arith.constant 0 : i32
      %dma_start3A_108 = arith.constant 0 : i32
      %dma_start3A_109 = tpu.memref_slice %arg7[%dma_start3A_107, %dma_start3A_108] : memref<100001x16xf32, #tpu.memory_space<hbm>> -> memref<100001x16xf32, #tpu.memory_space<hbm>>
      tpu.enqueue_indirect_dma source(%dma_start3A_109 : memref<100001x16xf32, #tpu.memory_space<hbm>>) target(%dma_start3A_103 : memref<128x16xf32, #tpu.memory_space<vmem>>) offsets(%dma_start3A_106 : memref<128xi32, #tpu.memory_space<vmem>>) semaphore(%arg13 : memref<!tpu.dma_semaphore, #tpu.memory_space<semaphore_mem>>)
      %dma_start3A_110 = arith.constant 2 : i32
      %dma_start3A_111 = arith.constant 2 : i32
      %dma_start3A_112 = arith.constant 0 : i32
      %dma_start3A_113 = arith.constant 0 : i32
      %dma_start3A_114 = tpu.memref_slice %arg12[%dma_start3A_111, %dma_start3A_112, %dma_start3A_113] : memref<4x512x16xf32, #tpu.memory_space<vmem>> -> memref<1x128x16xf32, #tpu.memory_space<vmem>>
      %dma_start3A_115 = tpu.memref_squeeze %dma_start3A_114 : memref<1x128x16xf32, #tpu.memory_space<vmem>> -> memref<128x16xf32, #tpu.memory_space<vmem>>
      %dma_start3A_116 = arith.constant 0 : i32
      %dma_start3A_117 = tpu.memref_slice %arg11[%dma_start3A_110, %dma_start3A_116] : memref<4x512xi32, #tpu.memory_space<vmem>> -> memref<1x128xi32, #tpu.memory_space<vmem>>
      %dma_start3A_118 = tpu.memref_squeeze %dma_start3A_117 : memref<1x128xi32, #tpu.memory_space<vmem>> -> memref<128xi32, #tpu.memory_space<vmem>>
      %dma_start3A_119 = arith.constant 0 : i32
      %dma_start3A_120 = arith.constant 0 : i32
      %dma_start3A_121 = tpu.memref_slice %arg8[%dma_start3A_119, %dma_start3A_120] : memref<100001x16xf32, #tpu.memory_space<hbm>> -> memref<100001x16xf32, #tpu.memory_space<hbm>>
      tpu.enqueue_indirect_dma source(%dma_start3A_121 : memref<100001x16xf32, #tpu.memory_space<hbm>>) target(%dma_start3A_115 : memref<128x16xf32, #tpu.memory_space<vmem>>) offsets(%dma_start3A_118 : memref<128xi32, #tpu.memory_space<vmem>>) semaphore(%arg13 : memref<!tpu.dma_semaphore, #tpu.memory_space<semaphore_mem>>)
      %dma_start3A_122 = arith.constant 2 : i32
      %dma_start3A_123 = arith.constant 2 : i32
      %dma_start3A_124 = arith.constant 128 : i32
      %dma_start3A_125 = arith.constant 0 : i32
      %dma_start3A_126 = tpu.memref_slice %arg12[%dma_start3A_123, %dma_start3A_124, %dma_start3A_125] : memref<4x512x16xf32, #tpu.memory_space<vmem>> -> memref<1x128x16xf32, #tpu.memory_space<vmem>>
      %dma_start3A_127 = tpu.memref_squeeze %dma_start3A_126 : memref<1x128x16xf32, #tpu.memory_space<vmem>> -> memref<128x16xf32, #tpu.memory_space<vmem>>
      %dma_start3A_128 = arith.constant 128 : i32
      %dma_start3A_129 = tpu.memref_slice %arg11[%dma_start3A_122, %dma_start3A_128] : memref<4x512xi32, #tpu.memory_space<vmem>> -> memref<1x128xi32, #tpu.memory_space<vmem>>
      %dma_start3A_130 = tpu.memref_squeeze %dma_start3A_129 : memref<1x128xi32, #tpu.memory_space<vmem>> -> memref<128xi32, #tpu.memory_space<vmem>>
      %dma_start3A_131 = arith.constant 0 : i32
      %dma_start3A_132 = arith.constant 0 : i32
      %dma_start3A_133 = tpu.memref_slice %arg8[%dma_start3A_131, %dma_start3A_132] : memref<100001x16xf32, #tpu.memory_space<hbm>> -> memref<100001x16xf32, #tpu.memory_space<hbm>>
      tpu.enqueue_indirect_dma source(%dma_start3A_133 : memref<100001x16xf32, #tpu.memory_space<hbm>>) target(%dma_start3A_127 : memref<128x16xf32, #tpu.memory_space<vmem>>) offsets(%dma_start3A_130 : memref<128xi32, #tpu.memory_space<vmem>>) semaphore(%arg13 : memref<!tpu.dma_semaphore, #tpu.memory_space<semaphore_mem>>)
      %dma_start3A_134 = arith.constant 2 : i32
      %dma_start3A_135 = arith.constant 2 : i32
      %dma_start3A_136 = arith.constant 256 : i32
      %dma_start3A_137 = arith.constant 0 : i32
      %dma_start3A_138 = tpu.memref_slice %arg12[%dma_start3A_135, %dma_start3A_136, %dma_start3A_137] : memref<4x512x16xf32, #tpu.memory_space<vmem>> -> memref<1x128x16xf32, #tpu.memory_space<vmem>>
      %dma_start3A_139 = tpu.memref_squeeze %dma_start3A_138 : memref<1x128x16xf32, #tpu.memory_space<vmem>> -> memref<128x16xf32, #tpu.memory_space<vmem>>
      %dma_start3A_140 = arith.constant 256 : i32
      %dma_start3A_141 = tpu.memref_slice %arg11[%dma_start3A_134, %dma_start3A_140] : memref<4x512xi32, #tpu.memory_space<vmem>> -> memref<1x128xi32, #tpu.memory_space<vmem>>
      %dma_start3A_142 = tpu.memref_squeeze %dma_start3A_141 : memref<1x128xi32, #tpu.memory_space<vmem>> -> memref<128xi32, #tpu.memory_space<vmem>>
      %dma_start3A_143 = arith.constant 0 : i32
      %dma_start3A_144 = arith.constant 0 : i32
      %dma_start3A_145 = tpu.memref_slice %arg8[%dma_start3A_143, %dma_start3A_144] : memref<100001x16xf32, #tpu.memory_space<hbm>> -> memref<100001x16xf32, #tpu.memory_space<hbm>>
      tpu.enqueue_indirect_dma source(%dma_start3A_145 : memref<100001x16xf32, #tpu.memory_space<hbm>>) target(%dma_start3A_139 : memref<128x16xf32, #tpu.memory_space<vmem>>) offsets(%dma_start3A_142 : memref<128xi32, #tpu.memory_space<vmem>>) semaphore(%arg13 : memref<!tpu.dma_semaphore, #tpu.memory_space<semaphore_mem>>)
      %dma_start3A_146 = arith.constant 2 : i32
      %dma_start3A_147 = arith.constant 2 : i32
      %dma_start3A_148 = arith.constant 384 : i32
      %dma_start3A_149 = arith.constant 0 : i32
      %dma_start3A_150 = tpu.memref_slice %arg12[%dma_start3A_147, %dma_start3A_148, %dma_start3A_149] : memref<4x512x16xf32, #tpu.memory_space<vmem>> -> memref<1x128x16xf32, #tpu.memory_space<vmem>>
      %dma_start3A_151 = tpu.memref_squeeze %dma_start3A_150 : memref<1x128x16xf32, #tpu.memory_space<vmem>> -> memref<128x16xf32, #tpu.memory_space<vmem>>
      %dma_start3A_152 = arith.constant 384 : i32
      %dma_start3A_153 = tpu.memref_slice %arg11[%dma_start3A_146, %dma_start3A_152] : memref<4x512xi32, #tpu.memory_space<vmem>> -> memref<1x128xi32, #tpu.memory_space<vmem>>
      %dma_start3A_154 = tpu.memref_squeeze %dma_start3A_153 : memref<1x128xi32, #tpu.memory_space<vmem>> -> memref<128xi32, #tpu.memory_space<vmem>>
      %dma_start3A_155 = arith.constant 0 : i32
      %dma_start3A_156 = arith.constant 0 : i32
      %dma_start3A_157 = tpu.memref_slice %arg8[%dma_start3A_155, %dma_start3A_156] : memref<100001x16xf32, #tpu.memory_space<hbm>> -> memref<100001x16xf32, #tpu.memory_space<hbm>>
      tpu.enqueue_indirect_dma source(%dma_start3A_157 : memref<100001x16xf32, #tpu.memory_space<hbm>>) target(%dma_start3A_151 : memref<128x16xf32, #tpu.memory_space<vmem>>) offsets(%dma_start3A_154 : memref<128xi32, #tpu.memory_space<vmem>>) semaphore(%arg13 : memref<!tpu.dma_semaphore, #tpu.memory_space<semaphore_mem>>)
      %dma_start3A_158 = arith.constant 3 : i32
      %dma_start3A_159 = arith.constant 3 : i32
      %dma_start3A_160 = arith.constant 0 : i32
      %dma_start3A_161 = arith.constant 0 : i32
      %dma_start3A_162 = tpu.memref_slice %arg12[%dma_start3A_159, %dma_start3A_160, %dma_start3A_161] : memref<4x512x16xf32, #tpu.memory_space<vmem>> -> memref<1x128x16xf32, #tpu.memory_space<vmem>>
      %dma_start3A_163 = tpu.memref_squeeze %dma_start3A_162 : memref<1x128x16xf32, #tpu.memory_space<vmem>> -> memref<128x16xf32, #tpu.memory_space<vmem>>
      %dma_start3A_164 = arith.constant 0 : i32
      %dma_start3A_165 = tpu.memref_slice %arg11[%dma_start3A_158, %dma_start3A_164] : memref<4x512xi32, #tpu.memory_space<vmem>> -> memref<1x128xi32, #tpu.memory_space<vmem>>
      %dma_start3A_166 = tpu.memref_squeeze %dma_start3A_165 : memref<1x128xi32, #tpu.memory_space<vmem>> -> memref<128xi32, #tpu.memory_space<vmem>>
      %dma_start3A_167 = arith.constant 0 : i32
      %dma_start3A_168 = arith.constant 0 : i32
      %dma_start3A_169 = tpu.memref_slice %arg9[%dma_start3A_167, %dma_start3A_168] : memref<100001x16xf32, #tpu.memory_space<hbm>> -> memref<100001x16xf32, #tpu.memory_space<hbm>>
      tpu.enqueue_indirect_dma source(%dma_start3A_169 : memref<100001x16xf32, #tpu.memory_space<hbm>>) target(%dma_start3A_163 : memref<128x16xf32, #tpu.memory_space<vmem>>) offsets(%dma_start3A_166 : memref<128xi32, #tpu.memory_space<vmem>>) semaphore(%arg13 : memref<!tpu.dma_semaphore, #tpu.memory_space<semaphore_mem>>)
      %dma_start3A_170 = arith.constant 3 : i32
      %dma_start3A_171 = arith.constant 3 : i32
      %dma_start3A_172 = arith.constant 128 : i32
      %dma_start3A_173 = arith.constant 0 : i32
      %dma_start3A_174 = tpu.memref_slice %arg12[%dma_start3A_171, %dma_start3A_172, %dma_start3A_173] : memref<4x512x16xf32, #tpu.memory_space<vmem>> -> memref<1x128x16xf32, #tpu.memory_space<vmem>>
      %dma_start3A_175 = tpu.memref_squeeze %dma_start3A_174 : memref<1x128x16xf32, #tpu.memory_space<vmem>> -> memref<128x16xf32, #tpu.memory_space<vmem>>
      %dma_start3A_176 = arith.constant 128 : i32
      %dma_start3A_177 = tpu.memref_slice %arg11[%dma_start3A_170, %dma_start3A_176] : memref<4x512xi32, #tpu.memory_space<vmem>> -> memref<1x128xi32, #tpu.memory_space<vmem>>
      %dma_start3A_178 = tpu.memref_squeeze %dma_start3A_177 : memref<1x128xi32, #tpu.memory_space<vmem>> -> memref<128xi32, #tpu.memory_space<vmem>>
      %dma_start3A_179 = arith.constant 0 : i32
      %dma_start3A_180 = arith.constant 0 : i32
      %dma_start3A_181 = tpu.memref_slice %arg9[%dma_start3A_179, %dma_start3A_180] : memref<100001x16xf32, #tpu.memory_space<hbm>> -> memref<100001x16xf32, #tpu.memory_space<hbm>>
      tpu.enqueue_indirect_dma source(%dma_start3A_181 : memref<100001x16xf32, #tpu.memory_space<hbm>>) target(%dma_start3A_175 : memref<128x16xf32, #tpu.memory_space<vmem>>) offsets(%dma_start3A_178 : memref<128xi32, #tpu.memory_space<vmem>>) semaphore(%arg13 : memref<!tpu.dma_semaphore, #tpu.memory_space<semaphore_mem>>)
      %dma_start3A_182 = arith.constant 3 : i32
      %dma_start3A_183 = arith.constant 3 : i32
      %dma_start3A_184 = arith.constant 256 : i32
      %dma_start3A_185 = arith.constant 0 : i32
      %dma_start3A_186 = tpu.memref_slice %arg12[%dma_start3A_183, %dma_start3A_184, %dma_start3A_185] : memref<4x512x16xf32, #tpu.memory_space<vmem>> -> memref<1x128x16xf32, #tpu.memory_space<vmem>>
      %dma_start3A_187 = tpu.memref_squeeze %dma_start3A_186 : memref<1x128x16xf32, #tpu.memory_space<vmem>> -> memref<128x16xf32, #tpu.memory_space<vmem>>
      %dma_start3A_188 = arith.constant 256 : i32
      %dma_start3A_189 = tpu.memref_slice %arg11[%dma_start3A_182, %dma_start3A_188] : memref<4x512xi32, #tpu.memory_space<vmem>> -> memref<1x128xi32, #tpu.memory_space<vmem>>
      %dma_start3A_190 = tpu.memref_squeeze %dma_start3A_189 : memref<1x128xi32, #tpu.memory_space<vmem>> -> memref<128xi32, #tpu.memory_space<vmem>>
      %dma_start3A_191 = arith.constant 0 : i32
      %dma_start3A_192 = arith.constant 0 : i32
      %dma_start3A_193 = tpu.memref_slice %arg9[%dma_start3A_191, %dma_start3A_192] : memref<100001x16xf32, #tpu.memory_space<hbm>> -> memref<100001x16xf32, #tpu.memory_space<hbm>>
      tpu.enqueue_indirect_dma source(%dma_start3A_193 : memref<100001x16xf32, #tpu.memory_space<hbm>>) target(%dma_start3A_187 : memref<128x16xf32, #tpu.memory_space<vmem>>) offsets(%dma_start3A_190 : memref<128xi32, #tpu.memory_space<vmem>>) semaphore(%arg13 : memref<!tpu.dma_semaphore, #tpu.memory_space<semaphore_mem>>)
      %dma_start3A_194 = arith.constant 3 : i32
      %dma_start3A_195 = arith.constant 3 : i32
      %dma_start3A_196 = arith.constant 384 : i32
      %dma_start3A_197 = arith.constant 0 : i32
      %dma_start3A_198 = tpu.memref_slice %arg12[%dma_start3A_195, %dma_start3A_196, %dma_start3A_197] : memref<4x512x16xf32, #tpu.memory_space<vmem>> -> memref<1x128x16xf32, #tpu.memory_space<vmem>>
      %dma_start3A_199 = tpu.memref_squeeze %dma_start3A_198 : memref<1x128x16xf32, #tpu.memory_space<vmem>> -> memref<128x16xf32, #tpu.memory_space<vmem>>
      %dma_start3A_200 = arith.constant 384 : i32
      %dma_start3A_201 = tpu.memref_slice %arg11[%dma_start3A_194, %dma_start3A_200] : memref<4x512xi32, #tpu.memory_space<vmem>> -> memref<1x128xi32, #tpu.memory_space<vmem>>
      %dma_start3A_202 = tpu.memref_squeeze %dma_start3A_201 : memref<1x128xi32, #tpu.memory_space<vmem>> -> memref<128xi32, #tpu.memory_space<vmem>>
      %dma_start3A_203 = arith.constant 0 : i32
      %dma_start3A_204 = arith.constant 0 : i32
      %dma_start3A_205 = tpu.memref_slice %arg9[%dma_start3A_203, %dma_start3A_204] : memref<100001x16xf32, #tpu.memory_space<hbm>> -> memref<100001x16xf32, #tpu.memory_space<hbm>>
      tpu.enqueue_indirect_dma source(%dma_start3A_205 : memref<100001x16xf32, #tpu.memory_space<hbm>>) target(%dma_start3A_199 : memref<128x16xf32, #tpu.memory_space<vmem>>) offsets(%dma_start3A_202 : memref<128xi32, #tpu.memory_space<vmem>>) semaphore(%arg13 : memref<!tpu.dma_semaphore, #tpu.memory_space<semaphore_mem>>)
      %dma_wait3A = arith.constant 0 : i32
      %dma_wait3A_206 = arith.constant 0 : i32
      %dma_wait3A_207 = arith.constant 0 : i32
      %dma_wait3A_208 = arith.constant 0 : i32
      %dma_wait3A_209 = tpu.memref_slice %arg12[%dma_wait3A_206, %dma_wait3A_207, %dma_wait3A_208] : memref<4x512x16xf32, #tpu.memory_space<vmem>> -> memref<1x128x16xf32, #tpu.memory_space<vmem>>
      %dma_wait3A_210 = tpu.memref_squeeze %dma_wait3A_209 : memref<1x128x16xf32, #tpu.memory_space<vmem>> -> memref<128x16xf32, #tpu.memory_space<vmem>>
      %dma_wait3A_211 = arith.constant 0 : i32
      %dma_wait3A_212 = tpu.memref_slice %arg11[%dma_wait3A, %dma_wait3A_211] : memref<4x512xi32, #tpu.memory_space<vmem>> -> memref<1x128xi32, #tpu.memory_space<vmem>>
      %dma_wait3A_213 = tpu.memref_squeeze %dma_wait3A_212 : memref<1x128xi32, #tpu.memory_space<vmem>> -> memref<128xi32, #tpu.memory_space<vmem>>
      %dma_wait3A_214 = arith.constant 0 : i32
      %dma_wait3A_215 = arith.constant 0 : i32
      %dma_wait3A_216 = tpu.memref_slice %arg6[%dma_wait3A_214, %dma_wait3A_215] : memref<3x16xf32, #tpu.memory_space<hbm>> -> memref<3x16xf32, #tpu.memory_space<hbm>>
      tpu.wait_indirect_dma semaphore(%arg13 : memref<!tpu.dma_semaphore, #tpu.memory_space<semaphore_mem>>) src(%dma_wait3A_216 : memref<3x16xf32, #tpu.memory_space<hbm>>) dst(%dma_wait3A_210 : memref<128x16xf32, #tpu.memory_space<vmem>>)
      %dma_wait3A_217 = arith.constant 0 : i32
      %dma_wait3A_218 = arith.constant 0 : i32
      %dma_wait3A_219 = arith.constant 128 : i32
      %dma_wait3A_220 = arith.constant 0 : i32
      %dma_wait3A_221 = tpu.memref_slice %arg12[%dma_wait3A_218, %dma_wait3A_219, %dma_wait3A_220] : memref<4x512x16xf32, #tpu.memory_space<vmem>> -> memref<1x128x16xf32, #tpu.memory_space<vmem>>
      %dma_wait3A_222 = tpu.memref_squeeze %dma_wait3A_221 : memref<1x128x16xf32, #tpu.memory_space<vmem>> -> memref<128x16xf32, #tpu.memory_space<vmem>>
      %dma_wait3A_223 = arith.constant 128 : i32
      %dma_wait3A_224 = tpu.memref_slice %arg11[%dma_wait3A_217, %dma_wait3A_223] : memref<4x512xi32, #tpu.memory_space<vmem>> -> memref<1x128xi32, #tpu.memory_space<vmem>>
      %dma_wait3A_225 = tpu.memref_squeeze %dma_wait3A_224 : memref<1x128xi32, #tpu.memory_space<vmem>> -> memref<128xi32, #tpu.memory_space<vmem>>
      %dma_wait3A_226 = arith.constant 0 : i32
      %dma_wait3A_227 = arith.constant 0 : i32
      %dma_wait3A_228 = tpu.memref_slice %arg6[%dma_wait3A_226, %dma_wait3A_227] : memref<3x16xf32, #tpu.memory_space<hbm>> -> memref<3x16xf32, #tpu.memory_space<hbm>>
      tpu.wait_indirect_dma semaphore(%arg13 : memref<!tpu.dma_semaphore, #tpu.memory_space<semaphore_mem>>) src(%dma_wait3A_228 : memref<3x16xf32, #tpu.memory_space<hbm>>) dst(%dma_wait3A_222 : memref<128x16xf32, #tpu.memory_space<vmem>>)
      %dma_wait3A_229 = arith.constant 0 : i32
      %dma_wait3A_230 = arith.constant 0 : i32
      %dma_wait3A_231 = arith.constant 256 : i32
      %dma_wait3A_232 = arith.constant 0 : i32
      %dma_wait3A_233 = tpu.memref_slice %arg12[%dma_wait3A_230, %dma_wait3A_231, %dma_wait3A_232] : memref<4x512x16xf32, #tpu.memory_space<vmem>> -> memref<1x128x16xf32, #tpu.memory_space<vmem>>
      %dma_wait3A_234 = tpu.memref_squeeze %dma_wait3A_233 : memref<1x128x16xf32, #tpu.memory_space<vmem>> -> memref<128x16xf32, #tpu.memory_space<vmem>>
      %dma_wait3A_235 = arith.constant 256 : i32
      %dma_wait3A_236 = tpu.memref_slice %arg11[%dma_wait3A_229, %dma_wait3A_235] : memref<4x512xi32, #tpu.memory_space<vmem>> -> memref<1x128xi32, #tpu.memory_space<vmem>>
      %dma_wait3A_237 = tpu.memref_squeeze %dma_wait3A_236 : memref<1x128xi32, #tpu.memory_space<vmem>> -> memref<128xi32, #tpu.memory_space<vmem>>
      %dma_wait3A_238 = arith.constant 0 : i32
      %dma_wait3A_239 = arith.constant 0 : i32
      %dma_wait3A_240 = tpu.memref_slice %arg6[%dma_wait3A_238, %dma_wait3A_239] : memref<3x16xf32, #tpu.memory_space<hbm>> -> memref<3x16xf32, #tpu.memory_space<hbm>>
      tpu.wait_indirect_dma semaphore(%arg13 : memref<!tpu.dma_semaphore, #tpu.memory_space<semaphore_mem>>) src(%dma_wait3A_240 : memref<3x16xf32, #tpu.memory_space<hbm>>) dst(%dma_wait3A_234 : memref<128x16xf32, #tpu.memory_space<vmem>>)
      %dma_wait3A_241 = arith.constant 0 : i32
      %dma_wait3A_242 = arith.constant 0 : i32
      %dma_wait3A_243 = arith.constant 384 : i32
      %dma_wait3A_244 = arith.constant 0 : i32
      %dma_wait3A_245 = tpu.memref_slice %arg12[%dma_wait3A_242, %dma_wait3A_243, %dma_wait3A_244] : memref<4x512x16xf32, #tpu.memory_space<vmem>> -> memref<1x128x16xf32, #tpu.memory_space<vmem>>
      %dma_wait3A_246 = tpu.memref_squeeze %dma_wait3A_245 : memref<1x128x16xf32, #tpu.memory_space<vmem>> -> memref<128x16xf32, #tpu.memory_space<vmem>>
      %dma_wait3A_247 = arith.constant 384 : i32
      %dma_wait3A_248 = tpu.memref_slice %arg11[%dma_wait3A_241, %dma_wait3A_247] : memref<4x512xi32, #tpu.memory_space<vmem>> -> memref<1x128xi32, #tpu.memory_space<vmem>>
      %dma_wait3A_249 = tpu.memref_squeeze %dma_wait3A_248 : memref<1x128xi32, #tpu.memory_space<vmem>> -> memref<128xi32, #tpu.memory_space<vmem>>
      %dma_wait3A_250 = arith.constant 0 : i32
      %dma_wait3A_251 = arith.constant 0 : i32
      %dma_wait3A_252 = tpu.memref_slice %arg6[%dma_wait3A_250, %dma_wait3A_251] : memref<3x16xf32, #tpu.memory_space<hbm>> -> memref<3x16xf32, #tpu.memory_space<hbm>>
      tpu.wait_indirect_dma semaphore(%arg13 : memref<!tpu.dma_semaphore, #tpu.memory_space<semaphore_mem>>) src(%dma_wait3A_252 : memref<3x16xf32, #tpu.memory_space<hbm>>) dst(%dma_wait3A_246 : memref<128x16xf32, #tpu.memory_space<vmem>>)
      %dma_wait3A_253 = arith.constant 1 : i32
      %dma_wait3A_254 = arith.constant 1 : i32
      %dma_wait3A_255 = arith.constant 0 : i32
      %dma_wait3A_256 = arith.constant 0 : i32
      %dma_wait3A_257 = tpu.memref_slice %arg12[%dma_wait3A_254, %dma_wait3A_255, %dma_wait3A_256] : memref<4x512x16xf32, #tpu.memory_space<vmem>> -> memref<1x128x16xf32, #tpu.memory_space<vmem>>
      %dma_wait3A_258 = tpu.memref_squeeze %dma_wait3A_257 : memref<1x128x16xf32, #tpu.memory_space<vmem>> -> memref<128x16xf32, #tpu.memory_space<vmem>>
      %dma_wait3A_259 = arith.constant 0 : i32
      %dma_wait3A_260 = tpu.memref_slice %arg11[%dma_wait3A_253, %dma_wait3A_259] : memref<4x512xi32, #tpu.memory_space<vmem>> -> memref<1x128xi32, #tpu.memory_space<vmem>>
      %dma_wait3A_261 = tpu.memref_squeeze %dma_wait3A_260 : memref<1x128xi32, #tpu.memory_space<vmem>> -> memref<128xi32, #tpu.memory_space<vmem>>
      %dma_wait3A_262 = arith.constant 0 : i32
      %dma_wait3A_263 = arith.constant 0 : i32
      %dma_wait3A_264 = tpu.memref_slice %arg7[%dma_wait3A_262, %dma_wait3A_263] : memref<100001x16xf32, #tpu.memory_space<hbm>> -> memref<100001x16xf32, #tpu.memory_space<hbm>>
      tpu.wait_indirect_dma semaphore(%arg13 : memref<!tpu.dma_semaphore, #tpu.memory_space<semaphore_mem>>) src(%dma_wait3A_264 : memref<100001x16xf32, #tpu.memory_space<hbm>>) dst(%dma_wait3A_258 : memref<128x16xf32, #tpu.memory_space<vmem>>)
      %dma_wait3A_265 = arith.constant 1 : i32
      %dma_wait3A_266 = arith.constant 1 : i32
      %dma_wait3A_267 = arith.constant 128 : i32
      %dma_wait3A_268 = arith.constant 0 : i32
      %dma_wait3A_269 = tpu.memref_slice %arg12[%dma_wait3A_266, %dma_wait3A_267, %dma_wait3A_268] : memref<4x512x16xf32, #tpu.memory_space<vmem>> -> memref<1x128x16xf32, #tpu.memory_space<vmem>>
      %dma_wait3A_270 = tpu.memref_squeeze %dma_wait3A_269 : memref<1x128x16xf32, #tpu.memory_space<vmem>> -> memref<128x16xf32, #tpu.memory_space<vmem>>
      %dma_wait3A_271 = arith.constant 128 : i32
      %dma_wait3A_272 = tpu.memref_slice %arg11[%dma_wait3A_265, %dma_wait3A_271] : memref<4x512xi32, #tpu.memory_space<vmem>> -> memref<1x128xi32, #tpu.memory_space<vmem>>
      %dma_wait3A_273 = tpu.memref_squeeze %dma_wait3A_272 : memref<1x128xi32, #tpu.memory_space<vmem>> -> memref<128xi32, #tpu.memory_space<vmem>>
      %dma_wait3A_274 = arith.constant 0 : i32
      %dma_wait3A_275 = arith.constant 0 : i32
      %dma_wait3A_276 = tpu.memref_slice %arg7[%dma_wait3A_274, %dma_wait3A_275] : memref<100001x16xf32, #tpu.memory_space<hbm>> -> memref<100001x16xf32, #tpu.memory_space<hbm>>
      tpu.wait_indirect_dma semaphore(%arg13 : memref<!tpu.dma_semaphore, #tpu.memory_space<semaphore_mem>>) src(%dma_wait3A_276 : memref<100001x16xf32, #tpu.memory_space<hbm>>) dst(%dma_wait3A_270 : memref<128x16xf32, #tpu.memory_space<vmem>>)
      %dma_wait3A_277 = arith.constant 1 : i32
      %dma_wait3A_278 = arith.constant 1 : i32
      %dma_wait3A_279 = arith.constant 256 : i32
      %dma_wait3A_280 = arith.constant 0 : i32
      %dma_wait3A_281 = tpu.memref_slice %arg12[%dma_wait3A_278, %dma_wait3A_279, %dma_wait3A_280] : memref<4x512x16xf32, #tpu.memory_space<vmem>> -> memref<1x128x16xf32, #tpu.memory_space<vmem>>
      %dma_wait3A_282 = tpu.memref_squeeze %dma_wait3A_281 : memref<1x128x16xf32, #tpu.memory_space<vmem>> -> memref<128x16xf32, #tpu.memory_space<vmem>>
      %dma_wait3A_283 = arith.constant 256 : i32
      %dma_wait3A_284 = tpu.memref_slice %arg11[%dma_wait3A_277, %dma_wait3A_283] : memref<4x512xi32, #tpu.memory_space<vmem>> -> memref<1x128xi32, #tpu.memory_space<vmem>>
      %dma_wait3A_285 = tpu.memref_squeeze %dma_wait3A_284 : memref<1x128xi32, #tpu.memory_space<vmem>> -> memref<128xi32, #tpu.memory_space<vmem>>
      %dma_wait3A_286 = arith.constant 0 : i32
      %dma_wait3A_287 = arith.constant 0 : i32
      %dma_wait3A_288 = tpu.memref_slice %arg7[%dma_wait3A_286, %dma_wait3A_287] : memref<100001x16xf32, #tpu.memory_space<hbm>> -> memref<100001x16xf32, #tpu.memory_space<hbm>>
      tpu.wait_indirect_dma semaphore(%arg13 : memref<!tpu.dma_semaphore, #tpu.memory_space<semaphore_mem>>) src(%dma_wait3A_288 : memref<100001x16xf32, #tpu.memory_space<hbm>>) dst(%dma_wait3A_282 : memref<128x16xf32, #tpu.memory_space<vmem>>)
      %dma_wait3A_289 = arith.constant 1 : i32
      %dma_wait3A_290 = arith.constant 1 : i32
      %dma_wait3A_291 = arith.constant 384 : i32
      %dma_wait3A_292 = arith.constant 0 : i32
      %dma_wait3A_293 = tpu.memref_slice %arg12[%dma_wait3A_290, %dma_wait3A_291, %dma_wait3A_292] : memref<4x512x16xf32, #tpu.memory_space<vmem>> -> memref<1x128x16xf32, #tpu.memory_space<vmem>>
      %dma_wait3A_294 = tpu.memref_squeeze %dma_wait3A_293 : memref<1x128x16xf32, #tpu.memory_space<vmem>> -> memref<128x16xf32, #tpu.memory_space<vmem>>
      %dma_wait3A_295 = arith.constant 384 : i32
      %dma_wait3A_296 = tpu.memref_slice %arg11[%dma_wait3A_289, %dma_wait3A_295] : memref<4x512xi32, #tpu.memory_space<vmem>> -> memref<1x128xi32, #tpu.memory_space<vmem>>
      %dma_wait3A_297 = tpu.memref_squeeze %dma_wait3A_296 : memref<1x128xi32, #tpu.memory_space<vmem>> -> memref<128xi32, #tpu.memory_space<vmem>>
      %dma_wait3A_298 = arith.constant 0 : i32
      %dma_wait3A_299 = arith.constant 0 : i32
      %dma_wait3A_300 = tpu.memref_slice %arg7[%dma_wait3A_298, %dma_wait3A_299] : memref<100001x16xf32, #tpu.memory_space<hbm>> -> memref<100001x16xf32, #tpu.memory_space<hbm>>
      tpu.wait_indirect_dma semaphore(%arg13 : memref<!tpu.dma_semaphore, #tpu.memory_space<semaphore_mem>>) src(%dma_wait3A_300 : memref<100001x16xf32, #tpu.memory_space<hbm>>) dst(%dma_wait3A_294 : memref<128x16xf32, #tpu.memory_space<vmem>>)
      %dma_wait3A_301 = arith.constant 2 : i32
      %dma_wait3A_302 = arith.constant 2 : i32
      %dma_wait3A_303 = arith.constant 0 : i32
      %dma_wait3A_304 = arith.constant 0 : i32
      %dma_wait3A_305 = tpu.memref_slice %arg12[%dma_wait3A_302, %dma_wait3A_303, %dma_wait3A_304] : memref<4x512x16xf32, #tpu.memory_space<vmem>> -> memref<1x128x16xf32, #tpu.memory_space<vmem>>
      %dma_wait3A_306 = tpu.memref_squeeze %dma_wait3A_305 : memref<1x128x16xf32, #tpu.memory_space<vmem>> -> memref<128x16xf32, #tpu.memory_space<vmem>>
      %dma_wait3A_307 = arith.constant 0 : i32
      %dma_wait3A_308 = tpu.memref_slice %arg11[%dma_wait3A_301, %dma_wait3A_307] : memref<4x512xi32, #tpu.memory_space<vmem>> -> memref<1x128xi32, #tpu.memory_space<vmem>>
      %dma_wait3A_309 = tpu.memref_squeeze %dma_wait3A_308 : memref<1x128xi32, #tpu.memory_space<vmem>> -> memref<128xi32, #tpu.memory_space<vmem>>
      %dma_wait3A_310 = arith.constant 0 : i32
      %dma_wait3A_311 = arith.constant 0 : i32
      %dma_wait3A_312 = tpu.memref_slice %arg8[%dma_wait3A_310, %dma_wait3A_311] : memref<100001x16xf32, #tpu.memory_space<hbm>> -> memref<100001x16xf32, #tpu.memory_space<hbm>>
      tpu.wait_indirect_dma semaphore(%arg13 : memref<!tpu.dma_semaphore, #tpu.memory_space<semaphore_mem>>) src(%dma_wait3A_312 : memref<100001x16xf32, #tpu.memory_space<hbm>>) dst(%dma_wait3A_306 : memref<128x16xf32, #tpu.memory_space<vmem>>)
      %dma_wait3A_313 = arith.constant 2 : i32
      %dma_wait3A_314 = arith.constant 2 : i32
      %dma_wait3A_315 = arith.constant 128 : i32
      %dma_wait3A_316 = arith.constant 0 : i32
      %dma_wait3A_317 = tpu.memref_slice %arg12[%dma_wait3A_314, %dma_wait3A_315, %dma_wait3A_316] : memref<4x512x16xf32, #tpu.memory_space<vmem>> -> memref<1x128x16xf32, #tpu.memory_space<vmem>>
      %dma_wait3A_318 = tpu.memref_squeeze %dma_wait3A_317 : memref<1x128x16xf32, #tpu.memory_space<vmem>> -> memref<128x16xf32, #tpu.memory_space<vmem>>
      %dma_wait3A_319 = arith.constant 128 : i32
      %dma_wait3A_320 = tpu.memref_slice %arg11[%dma_wait3A_313, %dma_wait3A_319] : memref<4x512xi32, #tpu.memory_space<vmem>> -> memref<1x128xi32, #tpu.memory_space<vmem>>
      %dma_wait3A_321 = tpu.memref_squeeze %dma_wait3A_320 : memref<1x128xi32, #tpu.memory_space<vmem>> -> memref<128xi32, #tpu.memory_space<vmem>>
      %dma_wait3A_322 = arith.constant 0 : i32
      %dma_wait3A_323 = arith.constant 0 : i32
      %dma_wait3A_324 = tpu.memref_slice %arg8[%dma_wait3A_322, %dma_wait3A_323] : memref<100001x16xf32, #tpu.memory_space<hbm>> -> memref<100001x16xf32, #tpu.memory_space<hbm>>
      tpu.wait_indirect_dma semaphore(%arg13 : memref<!tpu.dma_semaphore, #tpu.memory_space<semaphore_mem>>) src(%dma_wait3A_324 : memref<100001x16xf32, #tpu.memory_space<hbm>>) dst(%dma_wait3A_318 : memref<128x16xf32, #tpu.memory_space<vmem>>)
      %dma_wait3A_325 = arith.constant 2 : i32
      %dma_wait3A_326 = arith.constant 2 : i32
      %dma_wait3A_327 = arith.constant 256 : i32
      %dma_wait3A_328 = arith.constant 0 : i32
      %dma_wait3A_329 = tpu.memref_slice %arg12[%dma_wait3A_326, %dma_wait3A_327, %dma_wait3A_328] : memref<4x512x16xf32, #tpu.memory_space<vmem>> -> memref<1x128x16xf32, #tpu.memory_space<vmem>>
      %dma_wait3A_330 = tpu.memref_squeeze %dma_wait3A_329 : memref<1x128x16xf32, #tpu.memory_space<vmem>> -> memref<128x16xf32, #tpu.memory_space<vmem>>
      %dma_wait3A_331 = arith.constant 256 : i32
      %dma_wait3A_332 = tpu.memref_slice %arg11[%dma_wait3A_325, %dma_wait3A_331] : memref<4x512xi32, #tpu.memory_space<vmem>> -> memref<1x128xi32, #tpu.memory_space<vmem>>
      %dma_wait3A_333 = tpu.memref_squeeze %dma_wait3A_332 : memref<1x128xi32, #tpu.memory_space<vmem>> -> memref<128xi32, #tpu.memory_space<vmem>>
      %dma_wait3A_334 = arith.constant 0 : i32
      %dma_wait3A_335 = arith.constant 0 : i32
      %dma_wait3A_336 = tpu.memref_slice %arg8[%dma_wait3A_334, %dma_wait3A_335] : memref<100001x16xf32, #tpu.memory_space<hbm>> -> memref<100001x16xf32, #tpu.memory_space<hbm>>
      tpu.wait_indirect_dma semaphore(%arg13 : memref<!tpu.dma_semaphore, #tpu.memory_space<semaphore_mem>>) src(%dma_wait3A_336 : memref<100001x16xf32, #tpu.memory_space<hbm>>) dst(%dma_wait3A_330 : memref<128x16xf32, #tpu.memory_space<vmem>>)
      %dma_wait3A_337 = arith.constant 2 : i32
      %dma_wait3A_338 = arith.constant 2 : i32
      %dma_wait3A_339 = arith.constant 384 : i32
      %dma_wait3A_340 = arith.constant 0 : i32
      %dma_wait3A_341 = tpu.memref_slice %arg12[%dma_wait3A_338, %dma_wait3A_339, %dma_wait3A_340] : memref<4x512x16xf32, #tpu.memory_space<vmem>> -> memref<1x128x16xf32, #tpu.memory_space<vmem>>
      %dma_wait3A_342 = tpu.memref_squeeze %dma_wait3A_341 : memref<1x128x16xf32, #tpu.memory_space<vmem>> -> memref<128x16xf32, #tpu.memory_space<vmem>>
      %dma_wait3A_343 = arith.constant 384 : i32
      %dma_wait3A_344 = tpu.memref_slice %arg11[%dma_wait3A_337, %dma_wait3A_343] : memref<4x512xi32, #tpu.memory_space<vmem>> -> memref<1x128xi32, #tpu.memory_space<vmem>>
      %dma_wait3A_345 = tpu.memref_squeeze %dma_wait3A_344 : memref<1x128xi32, #tpu.memory_space<vmem>> -> memref<128xi32, #tpu.memory_space<vmem>>
      %dma_wait3A_346 = arith.constant 0 : i32
      %dma_wait3A_347 = arith.constant 0 : i32
      %dma_wait3A_348 = tpu.memref_slice %arg8[%dma_wait3A_346, %dma_wait3A_347] : memref<100001x16xf32, #tpu.memory_space<hbm>> -> memref<100001x16xf32, #tpu.memory_space<hbm>>
      tpu.wait_indirect_dma semaphore(%arg13 : memref<!tpu.dma_semaphore, #tpu.memory_space<semaphore_mem>>) src(%dma_wait3A_348 : memref<100001x16xf32, #tpu.memory_space<hbm>>) dst(%dma_wait3A_342 : memref<128x16xf32, #tpu.memory_space<vmem>>)
      %dma_wait3A_349 = arith.constant 3 : i32
      %dma_wait3A_350 = arith.constant 3 : i32
      %dma_wait3A_351 = arith.constant 0 : i32
      %dma_wait3A_352 = arith.constant 0 : i32
      %dma_wait3A_353 = tpu.memref_slice %arg12[%dma_wait3A_350, %dma_wait3A_351, %dma_wait3A_352] : memref<4x512x16xf32, #tpu.memory_space<vmem>> -> memref<1x128x16xf32, #tpu.memory_space<vmem>>
      %dma_wait3A_354 = tpu.memref_squeeze %dma_wait3A_353 : memref<1x128x16xf32, #tpu.memory_space<vmem>> -> memref<128x16xf32, #tpu.memory_space<vmem>>
      %dma_wait3A_355 = arith.constant 0 : i32
      %dma_wait3A_356 = tpu.memref_slice %arg11[%dma_wait3A_349, %dma_wait3A_355] : memref<4x512xi32, #tpu.memory_space<vmem>> -> memref<1x128xi32, #tpu.memory_space<vmem>>
      %dma_wait3A_357 = tpu.memref_squeeze %dma_wait3A_356 : memref<1x128xi32, #tpu.memory_space<vmem>> -> memref<128xi32, #tpu.memory_space<vmem>>
      %dma_wait3A_358 = arith.constant 0 : i32
      %dma_wait3A_359 = arith.constant 0 : i32
      %dma_wait3A_360 = tpu.memref_slice %arg9[%dma_wait3A_358, %dma_wait3A_359] : memref<100001x16xf32, #tpu.memory_space<hbm>> -> memref<100001x16xf32, #tpu.memory_space<hbm>>
      tpu.wait_indirect_dma semaphore(%arg13 : memref<!tpu.dma_semaphore, #tpu.memory_space<semaphore_mem>>) src(%dma_wait3A_360 : memref<100001x16xf32, #tpu.memory_space<hbm>>) dst(%dma_wait3A_354 : memref<128x16xf32, #tpu.memory_space<vmem>>)
      %dma_wait3A_361 = arith.constant 3 : i32
      %dma_wait3A_362 = arith.constant 3 : i32
      %dma_wait3A_363 = arith.constant 128 : i32
      %dma_wait3A_364 = arith.constant 0 : i32
      %dma_wait3A_365 = tpu.memref_slice %arg12[%dma_wait3A_362, %dma_wait3A_363, %dma_wait3A_364] : memref<4x512x16xf32, #tpu.memory_space<vmem>> -> memref<1x128x16xf32, #tpu.memory_space<vmem>>
      %dma_wait3A_366 = tpu.memref_squeeze %dma_wait3A_365 : memref<1x128x16xf32, #tpu.memory_space<vmem>> -> memref<128x16xf32, #tpu.memory_space<vmem>>
      %dma_wait3A_367 = arith.constant 128 : i32
      %dma_wait3A_368 = tpu.memref_slice %arg11[%dma_wait3A_361, %dma_wait3A_367] : memref<4x512xi32, #tpu.memory_space<vmem>> -> memref<1x128xi32, #tpu.memory_space<vmem>>
      %dma_wait3A_369 = tpu.memref_squeeze %dma_wait3A_368 : memref<1x128xi32, #tpu.memory_space<vmem>> -> memref<128xi32, #tpu.memory_space<vmem>>
      %dma_wait3A_370 = arith.constant 0 : i32
      %dma_wait3A_371 = arith.constant 0 : i32
      %dma_wait3A_372 = tpu.memref_slice %arg9[%dma_wait3A_370, %dma_wait3A_371] : memref<100001x16xf32, #tpu.memory_space<hbm>> -> memref<100001x16xf32, #tpu.memory_space<hbm>>
      tpu.wait_indirect_dma semaphore(%arg13 : memref<!tpu.dma_semaphore, #tpu.memory_space<semaphore_mem>>) src(%dma_wait3A_372 : memref<100001x16xf32, #tpu.memory_space<hbm>>) dst(%dma_wait3A_366 : memref<128x16xf32, #tpu.memory_space<vmem>>)
      %dma_wait3A_373 = arith.constant 3 : i32
      %dma_wait3A_374 = arith.constant 3 : i32
      %dma_wait3A_375 = arith.constant 256 : i32
      %dma_wait3A_376 = arith.constant 0 : i32
      %dma_wait3A_377 = tpu.memref_slice %arg12[%dma_wait3A_374, %dma_wait3A_375, %dma_wait3A_376] : memref<4x512x16xf32, #tpu.memory_space<vmem>> -> memref<1x128x16xf32, #tpu.memory_space<vmem>>
      %dma_wait3A_378 = tpu.memref_squeeze %dma_wait3A_377 : memref<1x128x16xf32, #tpu.memory_space<vmem>> -> memref<128x16xf32, #tpu.memory_space<vmem>>
      %dma_wait3A_379 = arith.constant 256 : i32
      %dma_wait3A_380 = tpu.memref_slice %arg11[%dma_wait3A_373, %dma_wait3A_379] : memref<4x512xi32, #tpu.memory_space<vmem>> -> memref<1x128xi32, #tpu.memory_space<vmem>>
      %dma_wait3A_381 = tpu.memref_squeeze %dma_wait3A_380 : memref<1x128xi32, #tpu.memory_space<vmem>> -> memref<128xi32, #tpu.memory_space<vmem>>
      %dma_wait3A_382 = arith.constant 0 : i32
      %dma_wait3A_383 = arith.constant 0 : i32
      %dma_wait3A_384 = tpu.memref_slice %arg9[%dma_wait3A_382, %dma_wait3A_383] : memref<100001x16xf32, #tpu.memory_space<hbm>> -> memref<100001x16xf32, #tpu.memory_space<hbm>>
      tpu.wait_indirect_dma semaphore(%arg13 : memref<!tpu.dma_semaphore, #tpu.memory_space<semaphore_mem>>) src(%dma_wait3A_384 : memref<100001x16xf32, #tpu.memory_space<hbm>>) dst(%dma_wait3A_378 : memref<128x16xf32, #tpu.memory_space<vmem>>)
      %dma_wait3A_385 = arith.constant 3 : i32
      %dma_wait3A_386 = arith.constant 3 : i32
      %dma_wait3A_387 = arith.constant 384 : i32
      %dma_wait3A_388 = arith.constant 0 : i32
      %dma_wait3A_389 = tpu.memref_slice %arg12[%dma_wait3A_386, %dma_wait3A_387, %dma_wait3A_388] : memref<4x512x16xf32, #tpu.memory_space<vmem>> -> memref<1x128x16xf32, #tpu.memory_space<vmem>>
      %dma_wait3A_390 = tpu.memref_squeeze %dma_wait3A_389 : memref<1x128x16xf32, #tpu.memory_space<vmem>> -> memref<128x16xf32, #tpu.memory_space<vmem>>
      %dma_wait3A_391 = arith.constant 384 : i32
      %dma_wait3A_392 = tpu.memref_slice %arg11[%dma_wait3A_385, %dma_wait3A_391] : memref<4x512xi32, #tpu.memory_space<vmem>> -> memref<1x128xi32, #tpu.memory_space<vmem>>
      %dma_wait3A_393 = tpu.memref_squeeze %dma_wait3A_392 : memref<1x128xi32, #tpu.memory_space<vmem>> -> memref<128xi32, #tpu.memory_space<vmem>>
      %dma_wait3A_394 = arith.constant 0 : i32
      %dma_wait3A_395 = arith.constant 0 : i32
      %dma_wait3A_396 = tpu.memref_slice %arg9[%dma_wait3A_394, %dma_wait3A_395] : memref<100001x16xf32, #tpu.memory_space<hbm>> -> memref<100001x16xf32, #tpu.memory_space<hbm>>
      tpu.wait_indirect_dma semaphore(%arg13 : memref<!tpu.dma_semaphore, #tpu.memory_space<semaphore_mem>>) src(%dma_wait3A_396 : memref<100001x16xf32, #tpu.memory_space<hbm>>) dst(%dma_wait3A_390 : memref<128x16xf32, #tpu.memory_space<vmem>>)
      %run_scoped3A_397 = arith.constant 0 : i32
      %run_scoped3A_398 = arith.constant 0 : i32
      "tpu.region"() ({
        %run_scoped3A_405 = tpu.sem_alloc : memref<!tpu.dma_semaphore, #tpu.memory_space<semaphore_mem>>
        %dma_start3A_406 = arith.constant 0 : i32
        %dma_start3A_407 = arith.constant 0 : i32
        %dma_start3A_408 = tpu.memref_slice %arg12[%run_scoped3A_397, %dma_start3A_406, %dma_start3A_407] : memref<4x512x16xf32, #tpu.memory_space<vmem>> -> memref<1x512x16xf32, #tpu.memory_space<vmem>>
        %dma_start3A_409 = tpu.memref_squeeze %dma_start3A_408 : memref<1x512x16xf32, #tpu.memory_space<vmem>> -> memref<512x16xf32, #tpu.memory_space<vmem>>
        %dma_start3A_410 = arith.constant 0 : i32
        %dma_start3A_411 = tpu.memref_slice %arg10[%add3A_11, %run_scoped3A_398, %dma_start3A_410] : memref<819200x4x16xf32, #tpu.memory_space<hbm>> -> memref<512x1x16xf32, #tpu.memory_space<hbm>>
        %dma_start3A_412 = tpu.memref_squeeze %dma_start3A_411 : memref<512x1x16xf32, #tpu.memory_space<hbm>> -> memref<512x16xf32, #tpu.memory_space<hbm>>
        %dma_start3A_413 = arith.constant 0 : i32
        %dma_start3A_414 = tpu.memref_slice %arg10[%add3A_11, %run_scoped3A_398, %dma_start3A_413] : memref<819200x4x16xf32, #tpu.memory_space<hbm>> -> memref<512x1x16xf32, #tpu.memory_space<hbm>>
        %dma_start3A_415 = tpu.memref_squeeze %dma_start3A_414 : memref<512x1x16xf32, #tpu.memory_space<hbm>> -> memref<512x16xf32, #tpu.memory_space<hbm>>
        %dma_start3A_416 = arith.constant 0 : i32
        %dma_start3A_417 = arith.constant 0 : i32
        %dma_start3A_418 = tpu.memref_slice %arg12[%run_scoped3A_397, %dma_start3A_416, %dma_start3A_417] : memref<4x512x16xf32, #tpu.memory_space<vmem>> -> memref<1x512x16xf32, #tpu.memory_space<vmem>>
        %dma_start3A_419 = tpu.memref_squeeze %dma_start3A_418 : memref<1x512x16xf32, #tpu.memory_space<vmem>> -> memref<512x16xf32, #tpu.memory_space<vmem>>
        tpu.enqueue_dma source(%dma_start3A_419 : memref<512x16xf32, #tpu.memory_space<vmem>>) target(%dma_start3A_415 : memref<512x16xf32, #tpu.memory_space<hbm>>) target_semaphore(%run_scoped3A_405 : memref<!tpu.dma_semaphore, #tpu.memory_space<semaphore_mem>>)
        %dma_wait3A_420 = arith.constant 0 : i32
        %dma_wait3A_421 = arith.constant 0 : i32
        %dma_wait3A_422 = tpu.memref_slice %arg12[%run_scoped3A_397, %dma_wait3A_420, %dma_wait3A_421] : memref<4x512x16xf32, #tpu.memory_space<vmem>> -> memref<1x512x16xf32, #tpu.memory_space<vmem>>
        %dma_wait3A_423 = tpu.memref_squeeze %dma_wait3A_422 : memref<1x512x16xf32, #tpu.memory_space<vmem>> -> memref<512x16xf32, #tpu.memory_space<vmem>>
        %dma_wait3A_424 = arith.constant 0 : i32
        %dma_wait3A_425 = tpu.memref_slice %arg10[%add3A_11, %run_scoped3A_398, %dma_wait3A_424] : memref<819200x4x16xf32, #tpu.memory_space<hbm>> -> memref<512x1x16xf32, #tpu.memory_space<hbm>>
        %dma_wait3A_426 = tpu.memref_squeeze %dma_wait3A_425 : memref<512x1x16xf32, #tpu.memory_space<hbm>> -> memref<512x16xf32, #tpu.memory_space<hbm>>
        %dma_wait3A_427 = arith.constant 0 : i32
        %dma_wait3A_428 = tpu.memref_slice %arg10[%add3A_11, %run_scoped3A_398, %dma_wait3A_427] : memref<819200x4x16xf32, #tpu.memory_space<hbm>> -> memref<512x1x16xf32, #tpu.memory_space<hbm>>
        %dma_wait3A_429 = tpu.memref_squeeze %dma_wait3A_428 : memref<512x1x16xf32, #tpu.memory_space<hbm>> -> memref<512x16xf32, #tpu.memory_space<hbm>>
        %dma_wait3A_430 = arith.constant 0 : i32
        %dma_wait3A_431 = arith.constant 0 : i32
        %dma_wait3A_432 = tpu.memref_slice %arg12[%run_scoped3A_397, %dma_wait3A_430, %dma_wait3A_431] : memref<4x512x16xf32, #tpu.memory_space<vmem>> -> memref<1x512x16xf32, #tpu.memory_space<vmem>>
        %dma_wait3A_433 = tpu.memref_squeeze %dma_wait3A_432 : memref<1x512x16xf32, #tpu.memory_space<vmem>> -> memref<512x16xf32, #tpu.memory_space<vmem>>
        tpu.wait_dma2 semaphore(%run_scoped3A_405 : memref<!tpu.dma_semaphore, #tpu.memory_space<semaphore_mem>>) src(%dma_wait3A_433 : memref<512x16xf32, #tpu.memory_space<vmem>>) dst(%dma_wait3A_429 : memref<512x16xf32, #tpu.memory_space<hbm>>)
        tpu.yield
      }) : () -> ()
      %run_scoped3A_399 = arith.constant 1 : i32
      %run_scoped3A_400 = arith.constant 1 : i32
      "tpu.region"() ({
        %run_scoped3A_405 = tpu.sem_alloc : memref<!tpu.dma_semaphore, #tpu.memory_space<semaphore_mem>>
        %dma_start3A_406 = arith.constant 0 : i32
        %dma_start3A_407 = arith.constant 0 : i32
        %dma_start3A_408 = tpu.memref_slice %arg12[%run_scoped3A_399, %dma_start3A_406, %dma_start3A_407] : memref<4x512x16xf32, #tpu.memory_space<vmem>> -> memref<1x512x16xf32, #tpu.memory_space<vmem>>
        %dma_start3A_409 = tpu.memref_squeeze %dma_start3A_408 : memref<1x512x16xf32, #tpu.memory_space<vmem>> -> memref<512x16xf32, #tpu.memory_space<vmem>>
        %dma_start3A_410 = arith.constant 0 : i32
        %dma_start3A_411 = tpu.memref_slice %arg10[%add3A_11, %run_scoped3A_400, %dma_start3A_410] : memref<819200x4x16xf32, #tpu.memory_space<hbm>> -> memref<512x1x16xf32, #tpu.memory_space<hbm>>
        %dma_start3A_412 = tpu.memref_squeeze %dma_start3A_411 : memref<512x1x16xf32, #tpu.memory_space<hbm>> -> memref<512x16xf32, #tpu.memory_space<hbm>>
        %dma_start3A_413 = arith.constant 0 : i32
        %dma_start3A_414 = tpu.memref_slice %arg10[%add3A_11, %run_scoped3A_400, %dma_start3A_413] : memref<819200x4x16xf32, #tpu.memory_space<hbm>> -> memref<512x1x16xf32, #tpu.memory_space<hbm>>
        %dma_start3A_415 = tpu.memref_squeeze %dma_start3A_414 : memref<512x1x16xf32, #tpu.memory_space<hbm>> -> memref<512x16xf32, #tpu.memory_space<hbm>>
        %dma_start3A_416 = arith.constant 0 : i32
        %dma_start3A_417 = arith.constant 0 : i32
        %dma_start3A_418 = tpu.memref_slice %arg12[%run_scoped3A_399, %dma_start3A_416, %dma_start3A_417] : memref<4x512x16xf32, #tpu.memory_space<vmem>> -> memref<1x512x16xf32, #tpu.memory_space<vmem>>
        %dma_start3A_419 = tpu.memref_squeeze %dma_start3A_418 : memref<1x512x16xf32, #tpu.memory_space<vmem>> -> memref<512x16xf32, #tpu.memory_space<vmem>>
        tpu.enqueue_dma source(%dma_start3A_419 : memref<512x16xf32, #tpu.memory_space<vmem>>) target(%dma_start3A_415 : memref<512x16xf32, #tpu.memory_space<hbm>>) target_semaphore(%run_scoped3A_405 : memref<!tpu.dma_semaphore, #tpu.memory_space<semaphore_mem>>)
        %dma_wait3A_420 = arith.constant 0 : i32
        %dma_wait3A_421 = arith.constant 0 : i32
        %dma_wait3A_422 = tpu.memref_slice %arg12[%run_scoped3A_399, %dma_wait3A_420, %dma_wait3A_421] : memref<4x512x16xf32, #tpu.memory_space<vmem>> -> memref<1x512x16xf32, #tpu.memory_space<vmem>>
        %dma_wait3A_423 = tpu.memref_squeeze %dma_wait3A_422 : memref<1x512x16xf32, #tpu.memory_space<vmem>> -> memref<512x16xf32, #tpu.memory_space<vmem>>
        %dma_wait3A_424 = arith.constant 0 : i32
        %dma_wait3A_425 = tpu.memref_slice %arg10[%add3A_11, %run_scoped3A_400, %dma_wait3A_424] : memref<819200x4x16xf32, #tpu.memory_space<hbm>> -> memref<512x1x16xf32, #tpu.memory_space<hbm>>
        %dma_wait3A_426 = tpu.memref_squeeze %dma_wait3A_425 : memref<512x1x16xf32, #tpu.memory_space<hbm>> -> memref<512x16xf32, #tpu.memory_space<hbm>>
        %dma_wait3A_427 = arith.constant 0 : i32
        %dma_wait3A_428 = tpu.memref_slice %arg10[%add3A_11, %run_scoped3A_400, %dma_wait3A_427] : memref<819200x4x16xf32, #tpu.memory_space<hbm>> -> memref<512x1x16xf32, #tpu.memory_space<hbm>>
        %dma_wait3A_429 = tpu.memref_squeeze %dma_wait3A_428 : memref<512x1x16xf32, #tpu.memory_space<hbm>> -> memref<512x16xf32, #tpu.memory_space<hbm>>
        %dma_wait3A_430 = arith.constant 0 : i32
        %dma_wait3A_431 = arith.constant 0 : i32
        %dma_wait3A_432 = tpu.memref_slice %arg12[%run_scoped3A_399, %dma_wait3A_430, %dma_wait3A_431] : memref<4x512x16xf32, #tpu.memory_space<vmem>> -> memref<1x512x16xf32, #tpu.memory_space<vmem>>
        %dma_wait3A_433 = tpu.memref_squeeze %dma_wait3A_432 : memref<1x512x16xf32, #tpu.memory_space<vmem>> -> memref<512x16xf32, #tpu.memory_space<vmem>>
        tpu.wait_dma2 semaphore(%run_scoped3A_405 : memref<!tpu.dma_semaphore, #tpu.memory_space<semaphore_mem>>) src(%dma_wait3A_433 : memref<512x16xf32, #tpu.memory_space<vmem>>) dst(%dma_wait3A_429 : memref<512x16xf32, #tpu.memory_space<hbm>>)
        tpu.yield
      }) : () -> ()
      %run_scoped3A_401 = arith.constant 2 : i32
      %run_scoped3A_402 = arith.constant 2 : i32
      "tpu.region"() ({
        %run_scoped3A_405 = tpu.sem_alloc : memref<!tpu.dma_semaphore, #tpu.memory_space<semaphore_mem>>
        %dma_start3A_406 = arith.constant 0 : i32
        %dma_start3A_407 = arith.constant 0 : i32
        %dma_start3A_408 = tpu.memref_slice %arg12[%run_scoped3A_401, %dma_start3A_406, %dma_start3A_407] : memref<4x512x16xf32, #tpu.memory_space<vmem>> -> memref<1x512x16xf32, #tpu.memory_space<vmem>>
        %dma_start3A_409 = tpu.memref_squeeze %dma_start3A_408 : memref<1x512x16xf32, #tpu.memory_space<vmem>> -> memref<512x16xf32, #tpu.memory_space<vmem>>
        %dma_start3A_410 = arith.constant 0 : i32
        %dma_start3A_411 = tpu.memref_slice %arg10[%add3A_11, %run_scoped3A_402, %dma_start3A_410] : memref<819200x4x16xf32, #tpu.memory_space<hbm>> -> memref<512x1x16xf32, #tpu.memory_space<hbm>>
        %dma_start3A_412 = tpu.memref_squeeze %dma_start3A_411 : memref<512x1x16xf32, #tpu.memory_space<hbm>> -> memref<512x16xf32, #tpu.memory_space<hbm>>
        %dma_start3A_413 = arith.constant 0 : i32
        %dma_start3A_414 = tpu.memref_slice %arg10[%add3A_11, %run_scoped3A_402, %dma_start3A_413] : memref<819200x4x16xf32, #tpu.memory_space<hbm>> -> memref<512x1x16xf32, #tpu.memory_space<hbm>>
        %dma_start3A_415 = tpu.memref_squeeze %dma_start3A_414 : memref<512x1x16xf32, #tpu.memory_space<hbm>> -> memref<512x16xf32, #tpu.memory_space<hbm>>
        %dma_start3A_416 = arith.constant 0 : i32
        %dma_start3A_417 = arith.constant 0 : i32
        %dma_start3A_418 = tpu.memref_slice %arg12[%run_scoped3A_401, %dma_start3A_416, %dma_start3A_417] : memref<4x512x16xf32, #tpu.memory_space<vmem>> -> memref<1x512x16xf32, #tpu.memory_space<vmem>>
        %dma_start3A_419 = tpu.memref_squeeze %dma_start3A_418 : memref<1x512x16xf32, #tpu.memory_space<vmem>> -> memref<512x16xf32, #tpu.memory_space<vmem>>
        tpu.enqueue_dma source(%dma_start3A_419 : memref<512x16xf32, #tpu.memory_space<vmem>>) target(%dma_start3A_415 : memref<512x16xf32, #tpu.memory_space<hbm>>) target_semaphore(%run_scoped3A_405 : memref<!tpu.dma_semaphore, #tpu.memory_space<semaphore_mem>>)
        %dma_wait3A_420 = arith.constant 0 : i32
        %dma_wait3A_421 = arith.constant 0 : i32
        %dma_wait3A_422 = tpu.memref_slice %arg12[%run_scoped3A_401, %dma_wait3A_420, %dma_wait3A_421] : memref<4x512x16xf32, #tpu.memory_space<vmem>> -> memref<1x512x16xf32, #tpu.memory_space<vmem>>
        %dma_wait3A_423 = tpu.memref_squeeze %dma_wait3A_422 : memref<1x512x16xf32, #tpu.memory_space<vmem>> -> memref<512x16xf32, #tpu.memory_space<vmem>>
        %dma_wait3A_424 = arith.constant 0 : i32
        %dma_wait3A_425 = tpu.memref_slice %arg10[%add3A_11, %run_scoped3A_402, %dma_wait3A_424] : memref<819200x4x16xf32, #tpu.memory_space<hbm>> -> memref<512x1x16xf32, #tpu.memory_space<hbm>>
        %dma_wait3A_426 = tpu.memref_squeeze %dma_wait3A_425 : memref<512x1x16xf32, #tpu.memory_space<hbm>> -> memref<512x16xf32, #tpu.memory_space<hbm>>
        %dma_wait3A_427 = arith.constant 0 : i32
        %dma_wait3A_428 = tpu.memref_slice %arg10[%add3A_11, %run_scoped3A_402, %dma_wait3A_427] : memref<819200x4x16xf32, #tpu.memory_space<hbm>> -> memref<512x1x16xf32, #tpu.memory_space<hbm>>
        %dma_wait3A_429 = tpu.memref_squeeze %dma_wait3A_428 : memref<512x1x16xf32, #tpu.memory_space<hbm>> -> memref<512x16xf32, #tpu.memory_space<hbm>>
        %dma_wait3A_430 = arith.constant 0 : i32
        %dma_wait3A_431 = arith.constant 0 : i32
        %dma_wait3A_432 = tpu.memref_slice %arg12[%run_scoped3A_401, %dma_wait3A_430, %dma_wait3A_431] : memref<4x512x16xf32, #tpu.memory_space<vmem>> -> memref<1x512x16xf32, #tpu.memory_space<vmem>>
        %dma_wait3A_433 = tpu.memref_squeeze %dma_wait3A_432 : memref<1x512x16xf32, #tpu.memory_space<vmem>> -> memref<512x16xf32, #tpu.memory_space<vmem>>
        tpu.wait_dma2 semaphore(%run_scoped3A_405 : memref<!tpu.dma_semaphore, #tpu.memory_space<semaphore_mem>>) src(%dma_wait3A_433 : memref<512x16xf32, #tpu.memory_space<vmem>>) dst(%dma_wait3A_429 : memref<512x16xf32, #tpu.memory_space<hbm>>)
        tpu.yield
      }) : () -> ()
      %run_scoped3A_403 = arith.constant 3 : i32
      %run_scoped3A_404 = arith.constant 3 : i32
      "tpu.region"() ({
        %run_scoped3A_405 = tpu.sem_alloc : memref<!tpu.dma_semaphore, #tpu.memory_space<semaphore_mem>>
        %dma_start3A_406 = arith.constant 0 : i32
        %dma_start3A_407 = arith.constant 0 : i32
        %dma_start3A_408 = tpu.memref_slice %arg12[%run_scoped3A_403, %dma_start3A_406, %dma_start3A_407] : memref<4x512x16xf32, #tpu.memory_space<vmem>> -> memref<1x512x16xf32, #tpu.memory_space<vmem>>
        %dma_start3A_409 = tpu.memref_squeeze %dma_start3A_408 : memref<1x512x16xf32, #tpu.memory_space<vmem>> -> memref<512x16xf32, #tpu.memory_space<vmem>>
        %dma_start3A_410 = arith.constant 0 : i32
        %dma_start3A_411 = tpu.memref_slice %arg10[%add3A_11, %run_scoped3A_404, %dma_start3A_410] : memref<819200x4x16xf32, #tpu.memory_space<hbm>> -> memref<512x1x16xf32, #tpu.memory_space<hbm>>
        %dma_start3A_412 = tpu.memref_squeeze %dma_start3A_411 : memref<512x1x16xf32, #tpu.memory_space<hbm>> -> memref<512x16xf32, #tpu.memory_space<hbm>>
        %dma_start3A_413 = arith.constant 0 : i32
        %dma_start3A_414 = tpu.memref_slice %arg10[%add3A_11, %run_scoped3A_404, %dma_start3A_413] : memref<819200x4x16xf32, #tpu.memory_space<hbm>> -> memref<512x1x16xf32, #tpu.memory_space<hbm>>
        %dma_start3A_415 = tpu.memref_squeeze %dma_start3A_414 : memref<512x1x16xf32, #tpu.memory_space<hbm>> -> memref<512x16xf32, #tpu.memory_space<hbm>>
        %dma_start3A_416 = arith.constant 0 : i32
        %dma_start3A_417 = arith.constant 0 : i32
        %dma_start3A_418 = tpu.memref_slice %arg12[%run_scoped3A_403, %dma_start3A_416, %dma_start3A_417] : memref<4x512x16xf32, #tpu.memory_space<vmem>> -> memref<1x512x16xf32, #tpu.memory_space<vmem>>
        %dma_start3A_419 = tpu.memref_squeeze %dma_start3A_418 : memref<1x512x16xf32, #tpu.memory_space<vmem>> -> memref<512x16xf32, #tpu.memory_space<vmem>>
        tpu.enqueue_dma source(%dma_start3A_419 : memref<512x16xf32, #tpu.memory_space<vmem>>) target(%dma_start3A_415 : memref<512x16xf32, #tpu.memory_space<hbm>>) target_semaphore(%run_scoped3A_405 : memref<!tpu.dma_semaphore, #tpu.memory_space<semaphore_mem>>)
        %dma_wait3A_420 = arith.constant 0 : i32
        %dma_wait3A_421 = arith.constant 0 : i32
        %dma_wait3A_422 = tpu.memref_slice %arg12[%run_scoped3A_403, %dma_wait3A_420, %dma_wait3A_421] : memref<4x512x16xf32, #tpu.memory_space<vmem>> -> memref<1x512x16xf32, #tpu.memory_space<vmem>>
        %dma_wait3A_423 = tpu.memref_squeeze %dma_wait3A_422 : memref<1x512x16xf32, #tpu.memory_space<vmem>> -> memref<512x16xf32, #tpu.memory_space<vmem>>
        %dma_wait3A_424 = arith.constant 0 : i32
        %dma_wait3A_425 = tpu.memref_slice %arg10[%add3A_11, %run_scoped3A_404, %dma_wait3A_424] : memref<819200x4x16xf32, #tpu.memory_space<hbm>> -> memref<512x1x16xf32, #tpu.memory_space<hbm>>
        %dma_wait3A_426 = tpu.memref_squeeze %dma_wait3A_425 : memref<512x1x16xf32, #tpu.memory_space<hbm>> -> memref<512x16xf32, #tpu.memory_space<hbm>>
        %dma_wait3A_427 = arith.constant 0 : i32
        %dma_wait3A_428 = tpu.memref_slice %arg10[%add3A_11, %run_scoped3A_404, %dma_wait3A_427] : memref<819200x4x16xf32, #tpu.memory_space<hbm>> -> memref<512x1x16xf32, #tpu.memory_space<hbm>>
        %dma_wait3A_429 = tpu.memref_squeeze %dma_wait3A_428 : memref<512x1x16xf32, #tpu.memory_space<hbm>> -> memref<512x16xf32, #tpu.memory_space<hbm>>
        %dma_wait3A_430 = arith.constant 0 : i32
        %dma_wait3A_431 = arith.constant 0 : i32
        %dma_wait3A_432 = tpu.memref_slice %arg12[%run_scoped3A_403, %dma_wait3A_430, %dma_wait3A_431] : memref<4x512x16xf32, #tpu.memory_space<vmem>> -> memref<1x512x16xf32, #tpu.memory_space<vmem>>
        %dma_wait3A_433 = tpu.memref_squeeze %dma_wait3A_432 : memref<1x512x16xf32, #tpu.memory_space<vmem>> -> memref<512x16xf32, #tpu.memory_space<vmem>>
        tpu.wait_dma2 semaphore(%run_scoped3A_405 : memref<!tpu.dma_semaphore, #tpu.memory_space<semaphore_mem>>) src(%dma_wait3A_433 : memref<512x16xf32, #tpu.memory_space<vmem>>) dst(%dma_wait3A_429 : memref<512x16xf32, #tpu.memory_space<hbm>>)
        tpu.yield
      }) : () -> ()
    }
    %scan3A_5 = arith.constant 50 : i32
    return
  }
}

</mosaic_0001>

<sc_bundles>
// kernel: _run.3.cloned.1.call-start
scs
__scs_entry_jumppad:
0x0: {  	(pc) =	sbr.rel $0x88, $3  }
0x1: {  	(tag) =	ssettag $0x0;
	lr =	simm.s32 $0x1  }
0x2: {  	[smem:$0x3F99] =	sst lr;
	_ =	strace $0xD0000000  }
0x3: {  	_ = 	snop  }
0x4: {  	_ = 	snop  }
0x5: {  	_ = 	snop  }
0x6: {  	_ = 	snop  }
0x7: {  	_ = 	snop  }
__scs_overlays_trampoline_lowered:
0x8: {  	[smem:$0x3FA8] =	sst s0  }
0x9: {  	[smem:$0x3FA9] =	sst s1  }
0xa: {  	[smem:$0x3FAA] =	sst s2  }
0xb: {  	[smem:$0x3FAB] =	sst s3  }
0xc: {  	[smem:$0x3FAC] =	sst s4  }
0xd: {  	[smem:$0x3FAD] =	sst s5  }
0xe: {  	[smem:$0x3FAE] =	sst s6  }
0xf: {  	[smem:$0x3FAF] =	sst s7  }
0x10: {  	[smem:$0x3FB0] =	sst s8  }
0x11: {  	[smem:$0x3FB1] =	sst s9;
	s0 =	simm.s32 @!p0 $0x0  }
0x12: {  	s1 =	sld [smem:$0x3F97];
	s0 =	simm.s32 @p0 $0x1  }
0x13: {  	[smem:$0x3FB2] =	sst s0;
	s0 =	simm.s32 @!p1 $0x0  }
0x14: {  	s2 =	sld [smem:$0x3F96];
	s0 =	simm.s32 @p1 $0x1  }
0x15: {  	[smem:$0x3FB3] =	sst s0;
	s0 =	simm.s32 @!p2 $0x0  }
0x16: {  	s3 =	sld [smem:$0x3FDB];
	s0 =	simm.s32 @p2 $0x1  }
0x17: {  	s4 =	simm.s32 $0x1BF5;
	[smem:$0x3FB5] =	sst s0  }
0x18: {  	s0 =	sld [smem:$0x3F98];
	_ =	swait.ge [sflag:s4], $0x0  }
0x19: {  	s7 =	sld [smem:$0x3F99]  }
0x1a: {  	s8 =	sadd.s32 $0xFFFFE003, lr  }
0x1b: {  	s9 =	sadd.s32 $0xFFFFFEF7, lr;
	s5 =	simm.s32 $0xFFFFFFFF;
	p2 =	slt.u32 s8, $0xFFFFF086  }
0x1c: {  	p1 =	slt.u32 s9, $0xF7A;
	s5 =	simm.s32 @!p2 $0x0  }
0x1d: {  	s5 =	simm.s32 @p1 $0x1;
	p0 =	seq.s32 s7, s2  }
0x1e: {  	s7 =	smul.u32 @!p0 $0xF7A, s2;
	p2 =	seq.s32 @!p0 s5, $0x0  }
0x1f: {  	s9 =	smul.u32 $0xF7A, s1;
	s8 =	simm.s32 @!p0 $0x1BF5;
	p2 =	por !p2, p0  }
0x20: {  	[sflag:s8] =	ssyncset.s32 @!p0 $0xFFFFF086;
	s6 =	sadd.s32 @!p0 s3, s7;
	s7 =	simm.s32 @!p0 $0x108  }
0x21: {  	s3 =	sadd.s32 s3, s9;
	s6 =	sadd.s32 @!p0 $0x88, s6;
	s7 =	simm.s32 @p2 $0x1082  }
0x22: {  	[simem:s7], [sflag:s8] =	dma.local @!p0 [hbm:s6], $0xF7A  }
0x23: {  	s9 =	sor.u32 $0xD0000000, s2;
	s6 =	simm.s32 $0x108;
	_ =	swait.ge @!p0 [sflag:s8], $0x0  }
0x24: {  	s3 =	sadd.s32 $0x88, s3;
	s6 =	simm.s32 @!p1 $0x1082;
	[sflag:s4] =	ssyncset.s32 $0xFFFFF086  }
0x25: {  	[simem:s6], [sflag:s4] =	dma.local [hbm:s3], $0xF7A  }
0x26: {  	[smem:$0x3F99] =	sst s1;
	(tag) =	ssettag s2;
	_ =	strace s9  }
0x27: {  	s1 =	sld [smem:$0x3FA9]  }
0x28: {  	s2 =	sld [smem:$0x3FAA]  }
0x29: {  	s4 =	sld [smem:$0x3FAC]  }
0x2a: {  	p0 =	seq.s32 s5, $0x0;
	s5 =	sld [smem:$0x3FAD]  }
0x2b: {  	s6 =	sld [smem:$0x3FAE]  }
0x2c: {  	s7 =	sld [smem:$0x3FAF]  }
0x2d: {  	s3 =	simm.s32 $0x108;
	s8 =	sld [smem:$0x3FB0]  }
0x2e: {  	s3 =	simm.s32 @!p0 $0x1082;
	s9 =	sld [smem:$0x3FB1]  }
0x2f: {  	lr =	sadd.s32 s0, s3;
	s0 =	sld [smem:$0x3FA8]  }
0x30: {  	s3 =	sld [smem:$0x3FAB]  }
0x31: {  	[smem:$0x3FB4] =	sst s10  }
0x32: {  	s10 =	sld [smem:$0x3FB2];
	_ =	sdelay $0x3  }
0x33: {  	p0 =	seq.s32 s10, $0x1;
	s10 =	sld [smem:$0x3FB4];
	_ =	sdelay $0x3  }
0x34: {  	[smem:$0x3FB4] =	sst s10  }
0x35: {  	s10 =	sld [smem:$0x3FB3];
	_ =	sdelay $0x3  }
0x36: {  	p1 =	seq.s32 s10, $0x1;
	s10 =	sld [smem:$0x3FB4];
	_ =	sdelay $0x3  }
0x37: {  	[smem:$0x3FB4] =	sst s10  }
0x38: {  	s10 =	sld [smem:$0x3FB5]  }
0x39: {  	_ = 	snop;
	(pc) =	sbr.ind lr, $3  }
0x3a: {  	_ = 	snop  }
0x3b: {  	_ = 	snop  }
0x3c: {  	p2 =	seq.s32 s10, $0x1;
	s10 =	sld [smem:$0x3FB4]  }
0x3d: {  	_ =	shalt  }
0x3e: {  	_ =	shalt  }
0x3f: {  	_ =	shalt  }
0x40: {  	_ =	shalt  }
0x41: {  	_ =	shalt  }
0x42: {  	_ =	shalt  }
0x43: {  	_ =	shalt  }
0x44: {  	_ =	shalt  }
0x45: {  	_ =	shalt  }
0x46: {  	_ =	shalt  }
0x47: {  	_ =	shalt  }
0x48: {  	_ =	shalt  }
0x49: {  	_ =	shalt  }
0x4a: {  	_ =	shalt  }
0x4b: {  	_ =	shalt  }
0x4c: {  	_ =	shalt  }
0x4d: {  	_ =	shalt  }
0x4e: {  	_ =	shalt  }
0x4f: {  	_ =	shalt  }
0x50: {  	_ =	shalt  }
0x51: {  	_ =	shalt  }
0x52: {  	_ =	shalt  }
0x53: {  	_ =	shalt  }
0x54: {  	_ =	shalt  }
0x55: {  	_ =	shalt  }
0x56: {  	_ =	shalt  }
0x57: {  	_ =	shalt  }
0x58: {  	_ =	shalt  }
0x59: {  	_ =	shalt  }
0x5a: {  	_ =	shalt  }
0x5b: {  	_ =	shalt  }
0x5c: {  	_ =	shalt  }
0x5d: {  	_ =	shalt  }
0x5e: {  	_ =	shalt  }
0x5f: {  	_ =	shalt  }
0x60: {  	_ =	shalt  }
0x61: {  	_ =	shalt  }
0x62: {  	_ =	shalt  }
0x63: {  	_ =	shalt  }
0x64: {  	_ =	shalt  }
0x65: {  	_ =	shalt  }
0x66: {  	_ =	shalt  }
0x67: {  	_ =	shalt  }
0x68: {  	_ =	shalt  }
0x69: {  	_ =	shalt  }
0x6a: {  	_ =	shalt  }
0x6b: {  	_ =	shalt  }
0x6c: {  	_ =	shalt  }
0x6d: {  	_ =	shalt  }
0x6e: {  	_ =	shalt  }
0x6f: {  	_ =	shalt  }
0x70: {  	_ =	shalt  }
0x71: {  	_ =	shalt  }
0x72: {  	_ =	shalt  }
0x73: {  	_ =	shalt  }
0x74: {  	_ =	shalt  }
0x75: {  	_ =	shalt  }
0x76: {  	_ =	shalt  }
0x77: {  	_ =	shalt  }
0x78: {  	_ =	shalt  }
0x79: {  	_ =	shalt  }
0x7a: {  	_ =	shalt  }
0x7b: {  	_ =	shalt  }
0x7c: {  	_ =	shalt  }
0x7d: {  	_ =	shalt  }
0x7e: {  	_ =	shalt  }
0x7f: {  	_ =	shalt  }
0x80: {  	_ =	shalt  }
0x81: {  	_ =	shalt  }
0x82: {  	_ =	shalt  }
0x83: {  	_ =	shalt  }
0x84: {  	_ =	shalt  }
0x85: {  	_ =	shalt  }
0x86: {  	_ =	shalt  }
0x87: {  	_ =	shalt  }
.Lfunc_end0:
.L_simem_size_0:
called_computation.1_lowered:
.L_overlay_start_0:
0x88: {  	s2 =	sld [smem:$0x3FD9]  }
0x89: {  	s3 =	sld [smem:$0x3FFE];
	_ =	sdelay $0x1  }
0x8a: {  	s1 =	srdreg.scid  }
0x8b: {  	s0 =	sand.u32 $0x1, s1  }
0x8c: {  	s17 =	sshll.u32 s0, $0xA;
	s2 =	sadd.s32 s3, s2  }
0x8d: {  	s2 =	sadd.s32 s2, s17  }
0x8e: {  	[smem:$0x3FC0] =	sst s2  }
0x8f: {  	_ = 	snop  }
0x90: {  	s2 =	sld [smem:$0x3FC9]  }
0x91: {  	s18 =	sld [smem:$0x3FC8]  }
0x92: {  	s4 =	sld [smem:$0x3FC7]  }
0x93: {  	s5 =	sld [smem:$0x3FC6]  }
0x94: {  	s6 =	sld [smem:$0x3FD0];
	(tm) =	ssettm $0x1  }
0x95: {  	s7 =	sld [smem:$0x3FFB];
	_ =	sdelay $0x3  }
0x96: {  	_ =	strace s7  }
0x97: {  	s7 =	sld [smem:$0x3FFC];
	_ =	sdelay $0x3  }
0x98: {  	_ =	strace s7  }
0x99: {  	s7 =	sld [smem:$0x3FFD];
	_ =	sdelay $0x3  }
0x9a: {  	_ =	strace s7  }
0x9b: {  	_ =	strace $0x8FFFFFFF  }
0x9c: {  	s19 =	sld [smem:$0x3FDB];
	_ =	sdelay $0x1  }
0x9d: {  	s8 =	simm.s32 $_scs_section_size  }
0x9e: {  	s9 =	simm.s32 $_size__tile_overlayer_lowered;
	s10 =	simm.s32 $_tile_overlayer_lowered  }
0x9f: {  	s22 =	simm.s32 $0x1BFF;
	s21 =	sshll.u32 s10, $0x1;
	s7 =	sadd.s32 s8, s19  }
0xa0: {  	s11 =	simm.s32 $0x0;
	s20 =	sshll.u32 s9, $0x1;
	s9 =	sadd.s32 s21, s7  }
0xa1: {  	[timem:s11], [sflag:s22] =	dma.local [hbm:s9], s20  }
0xa2: {  	_ =	swait.ge [sflag:s22], s20  }
0xa3: {  	s8 =	ssub.s32 $0x0, s20;
	[sflag:s22] =	ssyncset.done $0x0  }
0xa4: {  	[sflag:s22] =	ssyncadd.s32 s8;
	_ =	sdelay $0x1  }
0xa5: {  	s23 =	simm.s32 $0x1B8B  }
0xa6: {  	_ =	swait.ge [sflag:s23], $0x1  }
0xa7: {  	[sflag:s23] =	ssyncset.done $0x0  }
0xa8: {  	s25 =	simm.s32 $0x1B8E;
	s24 =	sld [smem:$0x3FFE];
	[sflag:s23] =	ssyncadd.s32 $0xFFFFFFFF  }
0xa9: {  	s26 =	simm.s32 $execute0_lowered;
	[smem:$0x3FD2] =	sst s25  }
0xaa: {  	s9 =	sshll.u32 s26, $0x1;
	_ =	strace $0x80000046;
	[dreg:$0x1] =	wrdreg $0xFFFFFFFF  }
0xab: {  	s28 =	simm.s32 $_size_execute0_lowered;
	s7 =	sadd.s32 s7, s9;
	[dreg:$0x0] =	wrdreg $0x0  }
0xac: {  	s9 =	sshll.u32 s28, $0x1;
	[dreg:$0x2] =	wrdreg s7  }
0xad: {  	[dreg:$0x3] =	wrdreg s9  }
0xae: {  	[dreg:$0x4] =	wrdreg $0xC0  }
0xaf: {  	_ =	task [dreg:s11], $0x5FFFF  }
0xb0: {  	[dreg:$0x1] =	wrdreg $0xFFFFFFFF  }
0xb1: {  	[dreg:$0x0] =	wrdreg $0x60  }
0xb2: {  	[dreg:$0x2] =	wrdreg s2  }
0xb3: {  	[dreg:$0x3] =	wrdreg s18  }
0xb4: {  	[dreg:$0x4] =	wrdreg s4  }
0xb5: {  	[dreg:$0x5] =	wrdreg s5  }
0xb6: {  	[dreg:$0x6] =	wrdreg s24  }
0xb7: {  	[dreg:$0x7] =	wrdreg s6  }
0xb8: {  	[dreg:$0x8] =	wrdreg $0x9  }
0xb9: {  	_ =	task.clear_ibuf [dreg:s11], $0x9FFFF;
	_ =	strace $0x90000046  }
0xba: {  	s29 =	simm.s32 $0x9;
	_ =	strace $0x80000048  }
0xbb: {  	_ =	swait.ge [sflag:s29], $0x1  }
0xbc: {  	[sflag:s29] =	ssyncadd.s32 $0xFFFFFFFF  }
0xbd: {  	_ =	strace $0x90000048  }
0xbe: {  	_ =	sfence  }
0xbf: {  	s30 =	sld [smem:$0x0];
	_ =	sdelay $0x2  }
0xc0: {  	s31 =	sshll.u32 s1, $0xD;
	s1 =	sshrl.u32 s1, $0x2  }
0xc1: {  	s3 =	sand.u32 $0x4000, s31;
	s1 =	sadd.s32 s1, s30  }
0xc2: {  	s0 =	sor.u32 s3, s0;
	s1 =	sshll.u32 s1, $0x11  }
0xc3: {  	s0 =	sor.u32 s1, s0  }
0xc4: {  	s0 =	sadd.s32 $0x8F2B, s0  }
0xc5: {  	[sflag:s0] =	ssyncadd.remote.s32 $0x1  }
0xc6: {  	_ =	sfence.sel $0xFFFF  }
0xc7: {  	[dreg:$0x0] =	wrdreg $0xFFFFFFFF;
	(pc) =	sbr.abs _section_cstart, $3  }
0xc8: {  	[dreg:$0x1] =	wrdreg $0xFFFFFFFF  }
0xc9: {  	_ =	task.clear_ibuf [dreg:s11], $0x2FFFF;
	_ =	strace $0x9FFFFFFF  }
0xca: {  	(tm) =	ssettm $0x7FFFFFFF  }
0xcb: {  	_ =	shalt  }
tec
execute0_lowered:
.L_overlay_start_1:
0x0: {  	(tag) =	ssettag $0x1  }
0x1: {  	s0 =	rddreg [dreg:$0x0]  }
0x2: {  	s1 =	rddreg [dreg:$0x1]  }
0x3: {  	s7 =	rddreg [dreg:$0x2]  }
0x4: {  	s8 =	rddreg [dreg:$0x3]  }
0x5: {  	s6 =	rddreg [dreg:$0x4]  }
0x6: {  	s4 =	rddreg [dreg:$0x5];
	s2 =	simm.s32 $0x0  }
0x7: {  	s23 =	simm.s32 $0x1000;
	[smem:$0x7FF] =	sst s2  }
0x8: {  	s25 =	simm.s32 $0x100;
	_ =	strace $0x80000047;
	[dreg:$0x8] =	wrdreg s23  }
0x9: {  	s26 =	simm.s32 $0x1800;
	[dreg:$0x9] =	wrdreg s25  }
0xa: {  	s28 =	simm.s32 $0x180;
	[dreg:$0xa] =	wrdreg s26  }
0xb: {  	s13 =	stileid.u32;
	s30 =	simm.s32 $0x2000;
	[dreg:$0xb] =	wrdreg s28  }
0xc: {  	s31 =	simm.s32 $0x280;
	s5 =	smul.u32 $0x64000, s13;
	[dreg:$0xc] =	wrdreg s30  }
0xd: {  	s29 =	smul.u32 $0xC800, s13;
	s13 =	simm.s32 $0x3000;
	[dreg:$0xd] =	wrdreg s31  }
0xe: {  	s14 =	simm.s32 $0x300;
	[dreg:$0xe] =	wrdreg s13  }
0xf: {  	s3 =	srdreg.scid;
	s16 =	simm.s32 $0x3800;
	[dreg:$0xf] =	wrdreg s14  }
0x10: {  	s17 =	simm.s32 $0x380;
	s18 =	simm.s32 $0x4000;
	[dreg:$0x10] =	wrdreg s16  }
0x11: {  	s19 =	simm.s32 $0x480;
	s20 =	simm.s32 $0x5000;
	[dreg:$0x11] =	wrdreg s17  }
0x12: {  	s21 =	simm.s32 $0x500;
	s22 =	simm.s32 $0x5800;
	[dreg:$0x12] =	wrdreg s18  }
0x13: {  	s9 =	sand.u32 $0x1, s3;
	s3 =	sadd.s32 $0x1200, s6;
	[dreg:$0x13] =	wrdreg s19  }
0x14: {  	s10 =	smul.u32 $0x32000, s9;
	s24 =	ssub.s32 $0x2, s9;
	[dreg:$0x14] =	wrdreg s20  }
0x15: {  	s9 =	smul.u32 $0x6400, s9;
	s25 =	simm.s32 $0x200;
	[dreg:$0x15] =	wrdreg s21  }
0x16: {  	s14 =	simm.s32 $0x400;
	[dreg:$0x16] =	wrdreg s22;
	s23 =	simm.s32 $0x580  }
0x17: {  	s16 =	simm.s32 $0x80;
	s26 =	simm.s32 $0x680;
	s17 =	simm.s32 $0x800  }
0x18: {  	s28 =	simm.s32 $0x7000;
	s18 =	simm.s32 $0x2800;
	s19 =	simm.s32 $0x4800  }
0x19: {  	s30 =	simm.s32 $0x7800;
	s20 =	simm.s32 $0x6800;
	[dreg:$0x17] =	wrdreg s23  }
0x1a: {  	s31 =	simm.s32 $0x780;
	s22 =	simm.s32 $0x1;
	[dreg:$0x19] =	wrdreg s26  }
0x1b: {  	s11 =	sadd.s32 s5, s4;
	s4 =	sadd.s32 $0x1400, s6;
	[dreg:$0x1a] =	wrdreg s28  }
0x1c: {  	s5 =	sadd.s32 $0x32200, s6;
	s6 =	sadd.s32 $0x63000, s6;
	[dreg:$0x1c] =	wrdreg s30  }
0x1d: {  	s12 =	sshrl.u32 s24, $0x1;
	[dreg:$0x1d] =	wrdreg s31;
	s10 =	sadd.s32 s10, s11  }
0x1e: {  	s11 =	ssub.s32 s24, s12;
	s24 =	simm.s32 $0x6000;
	[dreg:$0x7] =	wrdreg s10  }
0x1f: {  	s9 =	sadd.s32 s9, s29;
	s29 =	simm.s32 $0x700;
	[dreg:$0x18] =	wrdreg s24  }
0x20: {  	s11 =	smax.u32 s11, $0x1;
	s15 =	sshrl.u32 s9, $0x3;
	[dreg:$0x1b] =	wrdreg s29  }
0x21: {  	s23 =	simm.s32 $0x10;
	[dreg:$0x1e] =	wrdreg s11;
	s8 =	sadd.s32 s15, s8  }
0x22: {  	s12 =	simm.s32 $0x2;
	s7 =	sadd.s32 s15, s7;
	[dreg:$0x1f] =	wrdreg s8  }
0x23: {  	s24 =	simm.s32 $0x40;
	s1 =	sadd.s32 s15, s1;
	[smem:$0x7FB] =	sst s7  }
0x24: {  	s0 =	sadd.s32 s15, s0;
	s15 =	simm.s32 $0x600;
	[smem:$0x7FC] =	sst s1  }
0x25: {  	s11 =	simm.s32 $0x8000;
	[smem:$0x7FD] =	sst s0;
	s1 =	simm.s32 $0x0  }
.LBB2_1:
0x26: {  	s10 =	sld [smem:$0x7FD];
	_ =	sdelay $0x1  }
0x27: {  	[smem:$0x7FA] =	sst s1  }
0x28: {  	[tilespmem:s2], [sflag:$0x2] =	stream.linear.gather [hbm4b:s10+s2], $0x200, $0x38;
	[tilespmem:$0x8800] =	vst v63  }
0x29: {  	_ =	swait.ge [sflag:s12], $0x200  }
0x2a: {  	s9 =	sld [smem:$0x7FC]  }
0x2b: {  	[sflag:s12] =	ssyncset.done $0x0  }
0x2c: {  	[sflag:s12] =	ssyncadd.s32 $0xFFFFFE00  }
0x2d: {  	[tilespmem:s25], [sflag:$0x2] =	stream.linear.gather [hbm4b:s9+s2], $0x200, $0x38;
	[tilespmem:$0x8800] =	vst v63  }
0x2e: {  	_ =	swait.ge [sflag:s12], $0x200  }
0x2f: {  	s31 =	sld [smem:$0x7FB]  }
0x30: {  	[sflag:s12] =	ssyncset.done $0x0  }
0x31: {  	[sflag:s12] =	ssyncadd.s32 $0xFFFFFE00  }
0x32: {  	[tilespmem:s14], [sflag:$0x2] =	stream.linear.gather [hbm4b:s31+s2], $0x200, $0x38;
	[tilespmem:$0x8800] =	vst v63  }
0x33: {  	_ =	swait.ge [sflag:s12], $0x200  }
0x34: {  	[sflag:s12] =	ssyncset.done $0x0  }
0x35: {  	s8 =	rddreg [dreg:$0x1f];
	[sflag:s12] =	ssyncadd.s32 $0xFFFFFE00  }
0x36: {  	[tilespmem:s15], [sflag:$0x2] =	stream.linear.gather [hbm4b:s8+s2], $0x200, $0x38;
	[tilespmem:$0x8800] =	vst v63  }
0x37: {  	_ =	swait.ge [sflag:s12], $0x200  }
0x38: {  	s0 =	rddreg [dreg:$0x18]  }
0x39: {  	s1 =	rddreg [dreg:$0x16]  }
0x3a: {  	s7 =	rddreg [dreg:$0x12]  }
0x3b: {  	s26 =	rddreg [dreg:$0x9]  }
0x3c: {  	s28 =	rddreg [dreg:$0x8]  }
0x3d: {  	[sflag:s12] =	ssyncset.done $0x0;
	s29 =	rddreg [dreg:$0xa]  }
0x3e: {  	s30 =	rddreg [dreg:$0xc];
	[sflag:s12] =	ssyncadd.s32 $0xFFFFFE00  }
0x3f: {  	[tilespmem:s17], [sflag:$0x1] =	stream.indirect.gather [hbm4b:s3+s16], $0x10, s2, s16, $0xb8;
	[tilespmem:$0x8800] =	vst v63  }
0x40: {  	s13 =	rddreg [dreg:$0x10]  }
0x41: {  	[tilespmem:s28], [sflag:$0x1] =	stream.indirect.gather [hbm4b:s3+s16], $0x10, s16, s16, $0xb8;
	[tilespmem:$0x8800] =	vst v63  }
0x42: {  	s21 =	rddreg [dreg:$0x14]  }
0x43: {  	[tilespmem:s29], [sflag:$0x1] =	stream.indirect.gather [hbm4b:s3+s16], $0x10, s26, s16, $0xb8;
	[tilespmem:$0x8800] =	vst v63  }
0x44: {  	s28 =	rddreg [dreg:$0xb]  }
0x45: {  	[tilespmem:s30], [sflag:$0x1] =	stream.indirect.gather [hbm4b:s3+s16], $0x10, s28, s16, $0xb8;
	[tilespmem:$0x8800] =	vst v63  }
0x46: {  	s29 =	rddreg [dreg:$0xe]  }
0x47: {  	[tilespmem:s18], [sflag:$0x1] =	stream.indirect.gather [hbm4b:s4+s16], $0x10, s25, s16, $0xb8;
	[tilespmem:$0x8800] =	vst v63  }
0x48: {  	s28 =	rddreg [dreg:$0xd]  }
0x49: {  	[tilespmem:s29], [sflag:$0x1] =	stream.indirect.gather [hbm4b:s4+s16], $0x10, s28, s16, $0xb8;
	[tilespmem:$0x8800] =	vst v63  }
0x4a: {  	s30 =	rddreg [dreg:$0xf]  }
0x4b: {  	[tilespmem:s13], [sflag:$0x1] =	stream.indirect.gather [hbm4b:s4+s16], $0x10, s30, s16, $0xb8;
	[tilespmem:$0x8800] =	vst v63  }
0x4c: {  	s29 =	rddreg [dreg:$0x11]  }
0x4d: {  	[tilespmem:s7], [sflag:$0x1] =	stream.indirect.gather [hbm4b:s4+s16], $0x10, s29, s16, $0xb8;
	[tilespmem:$0x8800] =	vst v63  }
0x4e: {  	s26 =	rddreg [dreg:$0x1a]  }
0x4f: {  	[tilespmem:s19], [sflag:$0x1] =	stream.indirect.gather [hbm4b:s5+s16], $0x10, s14, s16, $0xb8;
	[tilespmem:$0x8800] =	vst v63  }
0x50: {  	s13 =	rddreg [dreg:$0x13]  }
0x51: {  	[tilespmem:s21], [sflag:$0x1] =	stream.indirect.gather [hbm4b:s5+s16], $0x10, s13, s16, $0xb8;
	[tilespmem:$0x8800] =	vst v63  }
0x52: {  	s29 =	rddreg [dreg:$0x15]  }
0x53: {  	[tilespmem:s1], [sflag:$0x1] =	stream.indirect.gather [hbm4b:s5+s16], $0x10, s29, s16, $0xb8;
	[tilespmem:$0x8800] =	vst v63  }
0x54: {  	s21 =	rddreg [dreg:$0x17]  }
0x55: {  	[tilespmem:s0], [sflag:$0x1] =	stream.indirect.gather [hbm4b:s5+s16], $0x10, s21, s16, $0xb8;
	[tilespmem:$0x8800] =	vst v63  }
0x56: {  	s28 =	rddreg [dreg:$0x1c]  }
0x57: {  	[tilespmem:s20], [sflag:$0x1] =	stream.indirect.gather [hbm4b:s6+s16], $0x10, s15, s16, $0xb8;
	[tilespmem:$0x8800] =	vst v63  }
0x58: {  	s7 =	rddreg [dreg:$0x19]  }
0x59: {  	[tilespmem:s26], [sflag:$0x1] =	stream.indirect.gather [hbm4b:s6+s16], $0x10, s7, s16, $0xb8;
	[tilespmem:$0x8800] =	vst v63  }
0x5a: {  	s13 =	rddreg [dreg:$0x1b]  }
0x5b: {  	[tilespmem:s28], [sflag:$0x1] =	stream.indirect.gather [hbm4b:s6+s16], $0x10, s13, s16, $0xb8;
	[tilespmem:$0x8800] =	vst v63  }
0x5c: {  	s21 =	rddreg [dreg:$0x1d]  }
0x5d: {  	[tilespmem:s11], [sflag:$0x1] =	stream.indirect.gather [hbm4b:s6+s16], $0x10, s21, s16, $0xb8;
	[tilespmem:$0x8800] =	vst v63  }
0x5e: {  	_ =	swait.ge [sflag:s22], $0x800  }
0x5f: {  	[sflag:s22] =	ssyncset.done $0x0  }
0x60: {  	[sflag:s22] =	ssyncadd.s32 $0xFFFFF800  }
0x61: {  	_ =	swait.ge [sflag:s22], $0x800  }
0x62: {  	[sflag:s22] =	ssyncset.done $0x0  }
0x63: {  	[sflag:s22] =	ssyncadd.s32 $0xFFFFF800  }
0x64: {  	_ =	swait.ge [sflag:s22], $0x800  }
0x65: {  	[sflag:s22] =	ssyncset.done $0x0  }
0x66: {  	[sflag:s22] =	ssyncadd.s32 $0xFFFFF800  }
0x67: {  	_ =	swait.ge [sflag:s22], $0x800  }
0x68: {  	[sflag:s22] =	ssyncset.done $0x0  }
0x69: {  	[sflag:s22] =	ssyncadd.s32 $0xFFFFF800  }
0x6a: {  	_ =	swait.ge [sflag:s22], $0x800  }
0x6b: {  	[sflag:s22] =	ssyncset.done $0x0  }
0x6c: {  	[sflag:s22] =	ssyncadd.s32 $0xFFFFF800  }
0x6d: {  	_ =	swait.ge [sflag:s22], $0x800  }
0x6e: {  	[sflag:s22] =	ssyncset.done $0x0  }
0x6f: {  	[sflag:s22] =	ssyncadd.s32 $0xFFFFF800  }
0x70: {  	_ =	swait.ge [sflag:s22], $0x800  }
0x71: {  	[sflag:s22] =	ssyncset.done $0x0  }
0x72: {  	[sflag:s22] =	ssyncadd.s32 $0xFFFFF800  }
0x73: {  	_ =	swait.ge [sflag:s22], $0x800  }
0x74: {  	[sflag:s22] =	ssyncset.done $0x0  }
0x75: {  	[sflag:s22] =	ssyncadd.s32 $0xFFFFF800  }
0x76: {  	_ =	swait.ge [sflag:s22], $0x800  }
0x77: {  	[sflag:s22] =	ssyncset.done $0x0  }
0x78: {  	[sflag:s22] =	ssyncadd.s32 $0xFFFFF800  }
0x79: {  	_ =	swait.ge [sflag:s22], $0x800  }
0x7a: {  	[sflag:s22] =	ssyncset.done $0x0  }
0x7b: {  	[sflag:s22] =	ssyncadd.s32 $0xFFFFF800  }
0x7c: {  	_ =	swait.ge [sflag:s22], $0x800  }
0x7d: {  	[sflag:s22] =	ssyncset.done $0x0  }
0x7e: {  	[sflag:s22] =	ssyncadd.s32 $0xFFFFF800  }
0x7f: {  	_ =	swait.ge [sflag:s22], $0x800  }
0x80: {  	[sflag:s22] =	ssyncset.done $0x0  }
0x81: {  	[sflag:s22] =	ssyncadd.s32 $0xFFFFF800  }
0x82: {  	_ =	swait.ge [sflag:s22], $0x800  }
0x83: {  	[sflag:s22] =	ssyncset.done $0x0  }
0x84: {  	[sflag:s22] =	ssyncadd.s32 $0xFFFFF800  }
0x85: {  	_ =	swait.ge [sflag:s22], $0x800  }
0x86: {  	[sflag:s22] =	ssyncset.done $0x0  }
0x87: {  	[sflag:s22] =	ssyncadd.s32 $0xFFFFF800  }
0x88: {  	_ =	swait.ge [sflag:s22], $0x800  }
0x89: {  	[sflag:s22] =	ssyncset.done $0x0  }
0x8a: {  	[sflag:s22] =	ssyncadd.s32 $0xFFFFF800  }
0x8b: {  	_ =	swait.ge [sflag:s22], $0x800  }
0x8c: {  	s26 =	rddreg [dreg:$0x7];
	[sflag:s22] =	ssyncset.done $0x0  }
0x8d: {  	[sflag:s22] =	ssyncadd.s32 $0xFFFFF800;
	s1 =	sadd.s32 $0x0, s26  }
0x8e: {  	[hbm4b:s1+s23] =	stream.strided.scatter [tilespmem:s17], [sflag:$0x2], $0x2000, s24, s23, $0x38;
	[tilespmem:$0x8800] =	vst v63  }
0x8f: {  	_ =	swait.ge [sflag:s12], $0x2000  }
0x90: {  	[sflag:s12] =	ssyncset.done $0x0  }
0x91: {  	s30 =	smov.u32 s8;
	s0 =	sadd.s32 $0x2, s1;
	[sflag:s12] =	ssyncadd.s32 $0xFFFFE000  }
0x92: {  	[hbm4b:s0+s23] =	stream.strided.scatter [tilespmem:s18], [sflag:$0x2], $0x2000, s24, s23, $0x38;
	[tilespmem:$0x8800] =	vst v63  }
0x93: {  	s29 =	sadd.s32 $0x40, s9;
	s28 =	sadd.s32 $0x40, s10;
	_ =	swait.ge [sflag:s12], $0x2000  }
0x94: {  	s26 =	simm.s32 $0x1000;
	s7 =	sadd.s32 $0x4, s1;
	[sflag:s12] =	ssyncset.done $0x0  }
.LBB2_2:
0x95: {  	[sflag:s12] =	ssyncadd.s32 $0xFFFFE000  }
0x96: {  	[hbm4b:s7+s23] =	stream.strided.scatter [tilespmem:s19], [sflag:$0x2], $0x2000, s24, s23, $0x38;
	[tilespmem:$0x8800] =	vst v63  }
0x97: {  	_ =	swait.ge [sflag:s12], $0x2000  }
0x98: {  	[sflag:s12] =	ssyncset.done $0x0  }
0x99: {  	s1 =	sadd.s32 $0x6, s1;
	[sflag:s12] =	ssyncadd.s32 $0xFFFFE000  }
0x9a: {  	[hbm4b:s1+s23] =	stream.strided.scatter [tilespmem:s20], [sflag:$0x2], $0x2000, s24, s23, $0x38;
	[tilespmem:$0x8800] =	vst v63  }
0x9b: {  	_ =	swait.ge [sflag:s12], $0x2000  }
0x9c: {  	[sflag:s12] =	ssyncset.done $0x0  }
0x9d: {  	[sflag:s12] =	ssyncadd.s32 $0xFFFFE000  }
0x9e: {  	[tilespmem:s2], [sflag:$0x2] =	stream.linear.gather [hbm4b:s28+s2], $0x200, $0x38;
	[tilespmem:$0x8800] =	vst v63  }
0x9f: {  	_ =	swait.ge [sflag:s12], $0x200  }
0xa0: {  	[sflag:s12] =	ssyncset.done $0x0  }
0xa1: {  	[sflag:s12] =	ssyncadd.s32 $0xFFFFFE00  }
0xa2: {  	[tilespmem:s25], [sflag:$0x2] =	stream.linear.gather [hbm4b:s29+s2], $0x200, $0x38;
	[tilespmem:$0x8800] =	vst v63  }
0xa3: {  	_ =	swait.ge [sflag:s12], $0x200  }
0xa4: {  	[sflag:s12] =	ssyncset.done $0x0  }
0xa5: {  	s31 =	sadd.s32 $0x40, s31;
	[sflag:s12] =	ssyncadd.s32 $0xFFFFFE00  }
0xa6: {  	[tilespmem:s14], [sflag:$0x2] =	stream.linear.gather [hbm4b:s31+s2], $0x200, $0x38;
	[tilespmem:$0x8800] =	vst v63  }
0xa7: {  	_ =	swait.ge [sflag:s12], $0x200  }
0xa8: {  	[sflag:s12] =	ssyncset.done $0x0  }
0xa9: {  	s30 =	sadd.s32 $0x40, s30;
	[sflag:s12] =	ssyncadd.s32 $0xFFFFFE00  }
0xaa: {  	[tilespmem:s15], [sflag:$0x2] =	stream.linear.gather [hbm4b:s30+s2], $0x200, $0x38;
	[tilespmem:$0x8800] =	vst v63  }
0xab: {  	_ =	swait.ge [sflag:s12], $0x200  }
0xac: {  	s1 =	rddreg [dreg:$0x18]  }
0xad: {  	s7 =	rddreg [dreg:$0x16]  }
0xae: {  	s8 =	rddreg [dreg:$0x12]  }
0xaf: {  	s10 =	rddreg [dreg:$0x10]  }
0xb0: {  	s9 =	rddreg [dreg:$0xe]  }
0xb1: {  	[sflag:s12] =	ssyncset.done $0x0;
	s11 =	rddreg [dreg:$0x9]  }
0xb2: {  	s25 =	rddreg [dreg:$0x8];
	[sflag:s12] =	ssyncadd.s32 $0xFFFFFE00  }
0xb3: {  	[tilespmem:s17], [sflag:$0x1] =	stream.indirect.gather [hbm4b:s3+s16], $0x10, s2, s16, $0xb8;
	[tilespmem:$0x8800] =	vst v63  }
0xb4: {  	s21 =	rddreg [dreg:$0xa]  }
0xb5: {  	[tilespmem:s25], [sflag:$0x1] =	stream.indirect.gather [hbm4b:s3+s16], $0x10, s16, s16, $0xb8;
	[tilespmem:$0x8800] =	vst v63  }
0xb6: {  	s13 =	rddreg [dreg:$0xc]  }
0xb7: {  	[tilespmem:s21], [sflag:$0x1] =	stream.indirect.gather [hbm4b:s3+s16], $0x10, s11, s16, $0xb8;
	[tilespmem:$0x8800] =	vst v63  }
0xb8: {  	s25 =	rddreg [dreg:$0xb]  }
0xb9: {  	[tilespmem:s13], [sflag:$0x1] =	stream.indirect.gather [hbm4b:s3+s16], $0x10, s25, s16, $0xb8;
	[tilespmem:$0x8800] =	vst v63  }
0xba: {  	s11 =	rddreg [dreg:$0x1c];
	s25 =	simm.s32 $0x200  }
0xbb: {  	[tilespmem:s18], [sflag:$0x1] =	stream.indirect.gather [hbm4b:s4+s16], $0x10, s25, s16, $0xb8;
	[tilespmem:$0x8800] =	vst v63  }
0xbc: {  	s13 =	rddreg [dreg:$0xd]  }
0xbd: {  	[tilespmem:s9], [sflag:$0x1] =	stream.indirect.gather [hbm4b:s4+s16], $0x10, s13, s16, $0xb8;
	[tilespmem:$0x8800] =	vst v63  }
0xbe: {  	s21 =	rddreg [dreg:$0xf]  }
0xbf: {  	[tilespmem:s10], [sflag:$0x1] =	stream.indirect.gather [hbm4b:s4+s16], $0x10, s21, s16, $0xb8;
	[tilespmem:$0x8800] =	vst v63  }
0xc0: {  	s13 =	rddreg [dreg:$0x11]  }
0xc1: {  	[tilespmem:s8], [sflag:$0x1] =	stream.indirect.gather [hbm4b:s4+s16], $0x10, s13, s16, $0xb8;
	[tilespmem:$0x8800] =	vst v63  }
0xc2: {  	s10 =	rddreg [dreg:$0x14]  }
0xc3: {  	[tilespmem:s19], [sflag:$0x1] =	stream.indirect.gather [hbm4b:s5+s16], $0x10, s14, s16, $0xb8;
	[tilespmem:$0x8800] =	vst v63  }
0xc4: {  	s13 =	rddreg [dreg:$0x13]  }
0xc5: {  	[tilespmem:s10], [sflag:$0x1] =	stream.indirect.gather [hbm4b:s5+s16], $0x10, s13, s16, $0xb8;
	[tilespmem:$0x8800] =	vst v63  }
0xc6: {  	s21 =	rddreg [dreg:$0x15]  }
0xc7: {  	[tilespmem:s7], [sflag:$0x1] =	stream.indirect.gather [hbm4b:s5+s16], $0x10, s21, s16, $0xb8;
	[tilespmem:$0x8800] =	vst v63  }
0xc8: {  	s13 =	rddreg [dreg:$0x17]  }
0xc9: {  	[tilespmem:s1], [sflag:$0x1] =	stream.indirect.gather [hbm4b:s5+s16], $0x10, s13, s16, $0xb8;
	[tilespmem:$0x8800] =	vst v63  }
0xca: {  	s9 =	rddreg [dreg:$0x19]  }
0xcb: {  	[tilespmem:s20], [sflag:$0x1] =	stream.indirect.gather [hbm4b:s6+s16], $0x10, s15, s16, $0xb8;
	[tilespmem:$0x8800] =	vst v63  }
0xcc: {  	s21 =	rddreg [dreg:$0x1a]  }
0xcd: {  	[tilespmem:s21], [sflag:$0x1] =	stream.indirect.gather [hbm4b:s6+s16], $0x10, s9, s16, $0xb8;
	[tilespmem:$0x8800] =	vst v63  }
0xce: {  	s10 =	rddreg [dreg:$0x1b]  }
0xcf: {  	[tilespmem:s11], [sflag:$0x1] =	stream.indirect.gather [hbm4b:s6+s16], $0x10, s10, s16, $0xb8;
	[tilespmem:$0x8800] =	vst v63  }
0xd0: {  	s13 =	rddreg [dreg:$0x1d];
	s11 =	simm.s32 $0x8000  }
0xd1: {  	[tilespmem:s11], [sflag:$0x1] =	stream.indirect.gather [hbm4b:s6+s16], $0x10, s13, s16, $0xb8;
	[tilespmem:$0x8800] =	vst v63  }
0xd2: {  	_ =	swait.ge [sflag:s22], $0x800  }
0xd3: {  	[sflag:s22] =	ssyncset.done $0x0  }
0xd4: {  	[sflag:s22] =	ssyncadd.s32 $0xFFFFF800  }
0xd5: {  	_ =	swait.ge [sflag:s22], $0x800  }
0xd6: {  	[sflag:s22] =	ssyncset.done $0x0  }
0xd7: {  	[sflag:s22] =	ssyncadd.s32 $0xFFFFF800  }
0xd8: {  	_ =	swait.ge [sflag:s22], $0x800  }
0xd9: {  	[sflag:s22] =	ssyncset.done $0x0  }
0xda: {  	[sflag:s22] =	ssyncadd.s32 $0xFFFFF800  }
0xdb: {  	_ =	swait.ge [sflag:s22], $0x800  }
0xdc: {  	[sflag:s22] =	ssyncset.done $0x0  }
0xdd: {  	[sflag:s22] =	ssyncadd.s32 $0xFFFFF800  }
0xde: {  	_ =	swait.ge [sflag:s22], $0x800  }
0xdf: {  	[sflag:s22] =	ssyncset.done $0x0  }
0xe0: {  	[sflag:s22] =	ssyncadd.s32 $0xFFFFF800  }
0xe1: {  	_ =	swait.ge [sflag:s22], $0x800  }
0xe2: {  	[sflag:s22] =	ssyncset.done $0x0  }
0xe3: {  	[sflag:s22] =	ssyncadd.s32 $0xFFFFF800  }
0xe4: {  	_ =	swait.ge [sflag:s22], $0x800  }
0xe5: {  	[sflag:s22] =	ssyncset.done $0x0  }
0xe6: {  	[sflag:s22] =	ssyncadd.s32 $0xFFFFF800  }
0xe7: {  	_ =	swait.ge [sflag:s22], $0x800  }
0xe8: {  	[sflag:s22] =	ssyncset.done $0x0  }
0xe9: {  	[sflag:s22] =	ssyncadd.s32 $0xFFFFF800  }
0xea: {  	_ =	swait.ge [sflag:s22], $0x800  }
0xeb: {  	[sflag:s22] =	ssyncset.done $0x0  }
0xec: {  	[sflag:s22] =	ssyncadd.s32 $0xFFFFF800  }
0xed: {  	_ =	swait.ge [sflag:s22], $0x800  }
0xee: {  	[sflag:s22] =	ssyncset.done $0x0  }
0xef: {  	[sflag:s22] =	ssyncadd.s32 $0xFFFFF800  }
0xf0: {  	_ =	swait.ge [sflag:s22], $0x800  }
0xf1: {  	[sflag:s22] =	ssyncset.done $0x0  }
0xf2: {  	[sflag:s22] =	ssyncadd.s32 $0xFFFFF800  }
0xf3: {  	_ =	swait.ge [sflag:s22], $0x800  }
0xf4: {  	[sflag:s22] =	ssyncset.done $0x0  }
0xf5: {  	[sflag:s22] =	ssyncadd.s32 $0xFFFFF800  }
0xf6: {  	_ =	swait.ge [sflag:s22], $0x800  }
0xf7: {  	[sflag:s22] =	ssyncset.done $0x0  }
0xf8: {  	[sflag:s22] =	ssyncadd.s32 $0xFFFFF800  }
0xf9: {  	_ =	swait.ge [sflag:s22], $0x800  }
0xfa: {  	[sflag:s22] =	ssyncset.done $0x0  }
0xfb: {  	[sflag:s22] =	ssyncadd.s32 $0xFFFFF800  }
0xfc: {  	_ =	swait.ge [sflag:s22], $0x800  }
0xfd: {  	[sflag:s22] =	ssyncset.done $0x0  }
0xfe: {  	[sflag:s22] =	ssyncadd.s32 $0xFFFFF800  }
0xff: {  	_ =	swait.ge [sflag:s22], $0x800  }
0x100: {  	s0 =	smov.u32 s26;
	s21 =	rddreg [dreg:$0x7];
	[sflag:s22] =	ssyncset.done $0x0  }
0x101: {  	[sflag:s22] =	ssyncadd.s32 $0xFFFFF800;
	s1 =	sadd.s32 s0, s21  }
0x102: {  	[hbm4b:s1+s23] =	stream.strided.scatter [tilespmem:s17], [sflag:$0x2], $0x2000, s24, s23, $0x38;
	[tilespmem:$0x8800] =	vst v63  }
0x103: {  	p0 =	sne.s32 s26, $0x31000;
	_ =	swait.ge [sflag:s12], $0x2000  }
.Ltmp0:
0x104: {  	[sflag:s12] =	ssyncset.done $0x0;
	(pc) =	sbr.rel @p0 .LBB2_2-.Ltmp0, $4  }
0x105: {  	s0 =	sadd.s32 $0x2, s1;
	[sflag:s12] =	ssyncadd.s32 $0xFFFFE000  }
0x106: {  	[hbm4b:s0+s23] =	stream.strided.scatter [tilespmem:s18], [sflag:$0x2], $0x2000, s24, s23, $0x38;
	[tilespmem:$0x8800] =	vst v63  }
0x107: {  	s26 =	sadd.s32 $0x1000, s26;
	s28 =	sadd.s32 $0x40, s28;
	_ =	swait.ge [sflag:s12], $0x2000  }
0x108: {  	s29 =	sadd.s32 $0x40, s29;
	s7 =	sadd.s32 $0x4, s1;
	[sflag:s12] =	ssyncset.done $0x0  }
0x109: {  	[sflag:s12] =	ssyncadd.s32 $0xFFFFE000  }
0x10a: {  	[hbm4b:s7+s23] =	stream.strided.scatter [tilespmem:s19], [sflag:$0x2], $0x2000, s24, s23, $0x38;
	[tilespmem:$0x8800] =	vst v63  }
0x10b: {  	_ =	swait.ge [sflag:s12], $0x2000  }
0x10c: {  	[sflag:s12] =	ssyncset.done $0x0  }
0x10d: {  	s0 =	sadd.s32 $0x6, s1;
	[sflag:s12] =	ssyncadd.s32 $0xFFFFE000  }
0x10e: {  	[hbm4b:s0+s23] =	stream.strided.scatter [tilespmem:s20], [sflag:$0x2], $0x2000, s24, s23, $0x38;
	[tilespmem:$0x8800] =	vst v63  }
0x10f: {  	_ =	swait.ge [sflag:s12], $0x2000  }
0x110: {  	s30 =	sld [smem:$0x7FA];
	_ =	sdelay $0x2  }
0x111: {  	s31 =	rddreg [dreg:$0x1e];
	s1 =	sadd.s32 $0x1, s30  }
0x112: {  	p0 =	sne.s32 s1, s31  }
.Ltmp1:
0x113: {  	_ = 	snop;
	(pc) =	sbr.rel @p0 .LBB2_1-.Ltmp1, $3  }
0x114: {  	_ =	sdelay $0x1  }
0x115: {  	[sflag:s12] =	ssyncset.done $0x0  }
0x116: {  	[sflag:s12] =	ssyncadd.s32 $0xFFFFE000  }
0x117: {  	_ =	sfence.sel $0x180000  }
0x118: {  	[bflag:$0x0] =	sbarrier.arrive $0xFFFF  }
0x119: {  	_ =	strace $0x90000047  }
0x11a: {  	s0 =	stileid.u32;
	[bflag:$0x2] =	sbarrier.arrive $0xFFFF  }
0x11b: {  	p0 =	sne.s32 s0, $0x0;
	s0 =	rddreg [dreg:$0x6]  }
0x11c: {  	s0 =	sadd.s32 @!p0 $0x100000, s0  }
0x11d: {  	[sflag:s0] =	ssyncadd.tile.s32 @!p0 $0x1;
	_ =	shalt  }
.Lfunc_end2:
_tile_overlayer_lowered:
.L_overlay_start_2:
0x11e: {  	(tag) =	ssettag $0x2  }
0x11f: {  	s0 =	rddreg [dreg:$0x0];
	s2 =	stileid.u32  }
0x120: {  	s1 =	rddreg [dreg:$0x1];
	p0 =	sne.s32 s2, $0x0  }
0x121: {  	s3 =	rddreg [dreg:$0x2];
	[bflag:$0x3] =	sbarrier.arrive $0xFFFF;
	s2 =	simm.s32 @!p0 $0x1C02  }
0x122: {  	[timem:s3], [sflag:s2] =	dma.local @!p0 [hbm:s0], s1  }
0x123: {  	s0 =	simm.s32 @!p0 $0x2  }
0x124: {  	_ =	swait.ge @!p0 [sflag:s0], s1  }
0x125: {  	s1 =	ssub.s32 @!p0 $0x0, s1;
	[sflag:s0] =	ssyncset.done @!p0 $0x0  }
0x126: {  	[sflag:s0] =	ssyncadd.s32 @!p0 s1  }
0x127: {  	[bflag:$0x3] =	sbarrier.arrive $0xFFFF  }
0x128: {  	_ =	shalt  }

// kernel: sparse-core-data-format-call.cloned.1.call-start
scs
called_computation_lowered:
.L_overlay_start_0:
0x0: {  	s2 =	sld [smem:$0x3FD9]  }
0x1: {  	s3 =	sld [smem:$0x3FFE];
	_ =	sdelay $0x1  }
0x2: {  	s1 =	srdreg.scid  }
0x3: {  	s0 =	sand.u32 $0x1, s1  }
0x4: {  	s18 =	sshll.u32 s0, $0xA;
	s2 =	sadd.s32 s3, s2  }
0x5: {  	s2 =	sadd.s32 s2, s18  }
0x6: {  	[smem:$0x3FC0] =	sst s2  }
0x7: {  	_ = 	snop  }
0x8: {  	s2 =	sld [smem:$0x3FD0];
	(tm) =	ssettm $0x1  }
0x9: {  	s19 =	sld [smem:$0x3FFB];
	_ =	sdelay $0x3  }
0xa: {  	_ =	strace s19  }
0xb: {  	s3 =	sld [smem:$0x3FFC];
	_ =	sdelay $0x3  }
0xc: {  	_ =	strace s3  }
0xd: {  	s3 =	sld [smem:$0x3FFD];
	_ =	sdelay $0x3  }
0xe: {  	_ =	strace s3  }
0xf: {  	_ =	strace $0x8FFFFFFF  }
0x10: {  	s20 =	sld [smem:$0x3FDB];
	_ =	sdelay $0x1  }
0x11: {  	s4 =	simm.s32 $_scs_section_size  }
0x12: {  	s5 =	simm.s32 $_size__tile_overlayer_lowered;
	s6 =	simm.s32 $_tile_overlayer_lowered  }
0x13: {  	s23 =	simm.s32 $0x1BFF;
	s22 =	sshll.u32 s6, $0x1;
	s3 =	sadd.s32 s4, s20  }
0x14: {  	s7 =	simm.s32 $0x0;
	s21 =	sshll.u32 s5, $0x1;
	s5 =	sadd.s32 s22, s3  }
0x15: {  	[timem:s7], [sflag:s23] =	dma.local [hbm:s5], s21  }
0x16: {  	_ =	swait.ge [sflag:s23], s21  }
0x17: {  	s4 =	ssub.s32 $0x0, s21;
	[sflag:s23] =	ssyncset.done $0x0  }
0x18: {  	[sflag:s23] =	ssyncadd.s32 s4;
	_ =	sdelay $0x1  }
0x19: {  	s24 =	simm.s32 $0x1B8B  }
0x1a: {  	_ =	swait.ge [sflag:s24], $0x1  }
0x1b: {  	[sflag:s24] =	ssyncset.done $0x0  }
0x1c: {  	s26 =	simm.s32 $0x1B8E;
	s25 =	sld [smem:$0x3FFE];
	[sflag:s24] =	ssyncadd.s32 $0xFFFFFFFF  }
0x1d: {  	s27 =	simm.s32 $execute0_lowered;
	[smem:$0x3FD2] =	sst s26  }
0x1e: {  	s5 =	sshll.u32 s27, $0x1;
	_ =	strace $0x80000049;
	[dreg:$0x1] =	wrdreg $0xFFFFFFFF  }
0x1f: {  	s28 =	simm.s32 $_size_execute0_lowered;
	s3 =	sadd.s32 s3, s5;
	[dreg:$0x0] =	wrdreg $0x0  }
0x20: {  	s5 =	sshll.u32 s28, $0x1;
	[dreg:$0x2] =	wrdreg s3  }
0x21: {  	[dreg:$0x3] =	wrdreg s5  }
0x22: {  	[dreg:$0x4] =	wrdreg $0xC0  }
0x23: {  	_ =	task [dreg:s7], $0x5FFFF  }
0x24: {  	[dreg:$0x1] =	wrdreg $0xFFFFFFFF  }
0x25: {  	[dreg:$0x0] =	wrdreg $0x60  }
0x26: {  	[dreg:$0x2] =	wrdreg s25  }
0x27: {  	[dreg:$0x3] =	wrdreg s2  }
0x28: {  	[dreg:$0x4] =	wrdreg $0x9  }
0x29: {  	_ =	task.clear_ibuf [dreg:s7], $0x5FFFF;
	_ =	strace $0x90000049  }
0x2a: {  	s29 =	simm.s32 $0x9;
	_ =	strace $0x8000004B  }
0x2b: {  	_ =	swait.ge [sflag:s29], $0x1  }
0x2c: {  	[sflag:s29] =	ssyncadd.s32 $0xFFFFFFFF  }
0x2d: {  	_ =	strace $0x9000004B  }
0x2e: {  	_ =	sfence  }
0x2f: {  	s30 =	sld [smem:$0x0];
	_ =	sdelay $0x2  }
0x30: {  	s31 =	sshll.u32 s1, $0xD;
	s1 =	sshrl.u32 s1, $0x2  }
0x31: {  	s3 =	sand.u32 $0x4000, s31;
	s1 =	sadd.s32 s1, s30  }
0x32: {  	s0 =	sor.u32 s3, s0;
	s1 =	sshll.u32 s1, $0x11  }
0x33: {  	s0 =	sor.u32 s1, s0  }
0x34: {  	s0 =	sadd.s32 $0x8F2B, s0  }
0x35: {  	[sflag:s0] =	ssyncadd.remote.s32 $0x1  }
0x36: {  	_ =	sfence.sel $0xFFFF  }
0x37: {  	[dreg:$0x0] =	wrdreg $0xFFFFFFFF;
	(pc) =	sbr.abs _section_cstart, $3  }
0x38: {  	[dreg:$0x1] =	wrdreg $0xFFFFFFFF  }
0x39: {  	_ =	task.clear_ibuf [dreg:s7], $0x2FFFF;
	_ =	strace $0x9FFFFFFF  }
0x3a: {  	(tm) =	ssettm $0x7FFFFFFF  }
0x3b: {  	_ =	shalt  }
tec
execute0_lowered:
.L_overlay_start_1:
0x0: {  	(tag) =	ssettag $0x1  }
0x1: {  	s0 =	srdreg.scid  }
0x2: {  	s1 =	sshll.u32 s0, $0x4  }
0x3: {  	s4 =	rddreg [dreg:$0x0];
	s0 =	stileid.u32;
	s1 =	sand.u32 $0x10, s1  }
0x4: {  	s2 =	rddreg [dreg:$0x1];
	s7 =	simm.s32 $0x1;
	s1 =	sor.u32 s0, s1  }
0x5: {  	s8 =	simm.s32 $0x2;
	s11 =	simm.s32 $0x0;
	s3 =	sshll.u32 s1, $0x7  }
0x6: {  	s10 =	simm.s32 $0x0;
	s4 =	sadd.s32 $0x1200, s4;
	s6 =	ssub.s32 $0xC8000, s3  }
.Ltmp0:
0x7: {  	s1 =	rddreg [dreg:$0x2];
	s5 =	sand.u32 $0xF80, s6;
	(pc) =	sbr.rel .LBB1_1-.Ltmp0, $4  }
0x8: {  	_ =	strace $0x8000004A;
	s9 =	smov.u32 s3;
	p0 =	sne.s32 s5, $0x0  }
0x9: {  	s6 =	sshrl.u32 s6, $0xC;
	s5 =	simm.s32 $0x1;
	s7 =	simm.s32 @!p0 $0x0  }
0xa: {  	[sflag:s5] =	ssyncpa.u1 $0x0;
	p0 =	por $0x0, $0x0;
	s6 =	sadd.s32 s7, s6  }
0xb: {  	[sflag:s8] =	ssyncpa.u1 $0x0;
	s8 =	simm.s32 $0x640000;
	s7 =	sadd.s32 $0x1, s6  }
.LBB1_4:
0xc: {  	s14 =	sshll.u32 s11, $0x3  }
0xd: {  	s30 =	sand.u32 $0x7F, s11;
	s15 =	sand.u32 $0xFFFFFC00, s14  }
0xe: {  	s11 =	sor.u32 s30, s15  }
0xf: {  	s15 =	smulhi.u32 $0x51EB851F, s11  }
0x10: {  	s14 =	smulhi.u32 $0x51EB851F, s14  }
0x11: {  	s15 =	sshrl.u32 s15, $0x12  }
0x12: {  	s14 =	sshrl.u32 s14, $0x12;
	s15 =	smul.u32 $0xC8000, s15  }
0x13: {  	s14 =	sand.u32 $0xF, s14  }
0x14: {  	s14 =	smul.u32 $0x19000, s14;
	s11 =	ssub.s32 s11, s15  }
0x15: {  	[tilespmem:s13+$0x810 ss:$0x81] =	vst.msk $0xffff, v2;
	s15 =	sand.u32 $0x7, s11  }
0x16: {  	[tilespmem:s13+$0x1020 ss:$0x81] =	vst.msk $0xffff, v0;
	s14 =	sadd.s32 s2, s14;
	s11 =	sshrl.u32 s11, $0x3;
	s15 =	sshll.u32 s15, $0x12  }
0x17: {  	[tilespmem:s13+$0x0 ss:$0x81] =	vst.msk $0xffff, v1;
	s11 =	sadd.s32 s11, s14;
	s31 =	sor.u32 $0x400, s15  }
0x18: {  	[hbm4b:s11+s31] =	stream.strided.scatter [tilespmem:s12], [sflag:$0x2], $0x2000, s8, s31, $0x20;
	[tilespmem:$0x8080] =	vst v63  }
.LBB1_5:
0x19: {  	s13 =	sadd.s32 $0x1000, s9  }
0x1a: {  	p2 =	sgt.s32 s13, $0xC7FFF  }
0x1b: {  	s13 =	smov.u32 @p2 s3;
	p2 =	sne.s32 s10, s7  }
.Ltmp1:
0x1c: {  	p1 =	slt.u32 s10, $0x2;
	(pc) =	sbr.rel @!p2 .LBB1_6-.Ltmp1, $4  }
0x1d: {  	s12 =	simm.s32 @!p1 $0x2  }
0x1e: {  	s14 =	sadd.s32 $0x1, s10;
	_ =	swait.ge @!p1 [sflag:s12], $0x2000  }
0x1f: {  	s11 =	smov.u32 s9;
	p0 =	por !p0, !p0;
	[sflag:s12] =	ssyncset.done @!p1 $0x0  }
0x20: {  	s10 =	smov.u32 s14;
	s9 =	smov.u32 s13;
	[sflag:s12] =	ssyncadd.s32 @!p1 $0xFFFFE000  }
.LBB1_1:
0x21: {  	p1 =	sge.u32 s10, s6  }
0x22: {  	s31 =	sadd.s32 $0xFFFFFFFF, s10;
	s12 =	sxor.u32 @!p1 $0xFFFFFFFF, s10  }
0x23: {  	s13 =	sshll.u32 @!p1 s9, $0x6;
	s14 =	simm.s32 @!p1 $0x10;
	s12 =	sshll.u32 @!p1 s12, $0xD  }
0x24: {  	s15 =	simm.s32 @!p1 $0x80;
	s13 =	sadd.s32 @!p1 s4, s13;
	s12 =	sand.u32 @!p1 $0x2000, s12  }
0x25: {  	[tilespmem:s12], [sflag:$0x1] =	stream.strided.gather @!p1 [hbm4b:s13+s14], $0x2000, s15, s14, $0x38;
	[tilespmem:$0x8080] =	vst v63  }
0x26: {  	p1 =	sge.u32 s31, s6  }
.Ltmp2:
0x27: {  	_ = 	snop;
	(pc) =	sbr.rel @p1 .LBB1_5-.Ltmp2, $1  }
0x28: {  	_ =	sdelay $0x3  }
0x29: {  	s12 =	simm.s32 $0x1  }
0x2a: {  	_ =	swait.ge [sflag:s5], $0x2000;
	s12 =	simm.s32 @!p0 $0x0  }
0x2b: {  	[sflag:s5] =	ssyncset.done $0x0;
	s13 =	sshll.u32 s12, $0xD  }
0x2c: {  	[sflag:s5] =	ssyncadd.s32 $0xFFFFE000;
	s16 =	sor.u32 $0x20, s13  }
0x2d: {  	s12 =	smul.u32 $0x8100, s12;
	v3 =	vld [tilespmem:s16+$0x10]  }
0x2e: {  	s30 =	sand.u32 $0x1, s10;
	v2 =	vld [tilespmem:s16+$0xFFFFFFF0]  }
0x2f: {  	s13 =	smul.u32 $0x8100, s30;
	s12 =	sshrl.u32 s12, $0x2;
	v0 =	vld [tilespmem:s16+$0x0]  }
0x30: {  	v1 =	vld [tilespmem:s16+$0xFFFFFFE0];
	s14 =	sor.u32 $0x4000, s12  }
0x31: {  	s31 =	sshrl.u32 s13, $0x2;
	s13 =	sadd.s32 $0x0, s14  }
0x32: {  	s15 =	simm.s32 $0x4;
	s16 =	sadd.s32 $0x40, s16;
	s12 =	sor.u32 $0x4000, s31;
	[tilespmem:s13+$0x1830 ss:$0x81] =	vst.msk $0xffff, v3  }
.LBB1_3:
0x33: {  	v3 =	vld [tilespmem:s16+$0x10];
	p1 =	sne.s32 s15, $0x1FC;
	[tilespmem:s13+$0x810 ss:$0x81] =	vst.msk $0xffff, v2;
	s17 =	smov.u32 s15;
	s15 =	sadd.s32 $0x4, s15  }
.Ltmp3:
0x34: {  	v2 =	vld [tilespmem:s16+$0xFFFFFFF0];
	[tilespmem:s13+$0x1020 ss:$0x81] =	vst.msk $0xffff, v0;
	(pc) =	sbr.rel @p1 .LBB1_3-.Ltmp3, $4  }
0x35: {  	v0 =	vld [tilespmem:s16+$0x0];
	[tilespmem:s13+$0x0 ss:$0x81] =	vst.msk $0xffff, v1  }
0x36: {  	s13 =	sshra.s32 s17, $0x2;
	v1 =	vld [tilespmem:s16+$0xFFFFFFE0]  }
0x37: {  	s13 =	sadd.s32 s13, s14  }
0x38: {  	s16 =	sadd.s32 $0x40, s16;
	[tilespmem:s13+$0x1830 ss:$0x81] =	vst.msk $0xffff, v3  }
.Ltmp4:
0x39: {  	_ = 	snop;
	(pc) =	sbr.rel .LBB1_4-.Ltmp4, $1  }
0x3a: {  	_ =	sdelay $0x3  }
.LBB1_6:
0x3b: {  	_ =	sfence.sel $0x180000  }
0x3c: {  	s2 =	simm.s32 $0x1;
	[bflag:$0x0] =	sbarrier.arrive $0xFFFF  }
0x3d: {  	s31 =	simm.s32 $0x2;
	[sflag:s2] =	ssyncpa.u1 $0x1  }
0x3e: {  	[sflag:s31] =	ssyncpa.u1 $0x1  }
0x3f: {  	p0 =	sne.s32 s0, $0x0;
	_ =	strace $0x9000004A  }
0x40: {  	s0 =	sadd.s32 @!p0 $0x100000, s1;
	[bflag:$0x2] =	sbarrier.arrive $0xFFFF  }
0x41: {  	[sflag:s0] =	ssyncadd.tile.s32 @!p0 $0x1;
	_ =	shalt  }
.Lfunc_end1:
_tile_overlayer_lowered:
.L_overlay_start_2:
0x42: {  	(tag) =	ssettag $0x2  }
0x43: {  	s0 =	rddreg [dreg:$0x0];
	s2 =	stileid.u32  }
0x44: {  	s1 =	rddreg [dreg:$0x1];
	p0 =	sne.s32 s2, $0x0  }
0x45: {  	s3 =	rddreg [dreg:$0x2];
	[bflag:$0x3] =	sbarrier.arrive $0xFFFF;
	s2 =	simm.s32 @!p0 $0x1C01  }
0x46: {  	[timem:s3], [sflag:s2] =	dma.local @!p0 [hbm:s0], s1  }
0x47: {  	s0 =	simm.s32 @!p0 $0x1  }
0x48: {  	_ =	swait.ge @!p0 [sflag:s0], s1  }
0x49: {  	s1 =	ssub.s32 @!p0 $0x0, s1;
	[sflag:s0] =	ssyncset.done @!p0 $0x0  }
0x4a: {  	[sflag:s0] =	ssyncadd.s32 @!p0 s1  }
0x4b: {  	[bflag:$0x3] =	sbarrier.arrive $0xFFFF  }
0x4c: {  	_ =	shalt  }

</sc_bundles>
